<compile_context>
chip_gen: v7x
topology: tpu7x:2x2x1
jax: 0.10.2.dev20260603
libtpu: 0.0.44.dev20260713+nightly
codegen_flags: <defaults>
</compile_context>

<pallas_src>
import functools

import jax
import jax.numpy as jnp
from jax import lax
from jax.experimental import pallas as pl
from jax.experimental.pallas import tpu as pltpu
from jax.experimental.pallas import tpu_sc as plsc

NC, NS, L = 2, 16, 16
NW = NC * NS
CH = 128


def _sc_deg(dst_p, npad, ept):
    nchunk16 = ept // L
    mesh = plsc.VectorSubcoreMesh(core_axis_name="c", subcore_axis_name="s",
                                  num_cores=NC, num_subcores=NS)

    @functools.partial(
        pl.kernel,
        out_type=jax.ShapeDtypeStruct((NW * npad,), jnp.float32),
        mesh=mesh,
        compiler_params=pltpu.CompilerParams(needs_layout_passes=False),
        scratch_types=[
            pltpu.VMEM((ept,), jnp.int32),
            pltpu.VMEM((npad,), jnp.float32),
        ],
    )
    def deg_kernel(dst_hbm, out_hbm, idx_v, deg_v):
        cid = lax.axis_index("c")
        sid = lax.axis_index("s")
        wid = sid * NC + cid
        pltpu.sync_copy(dst_hbm.at[pl.ds(wid * ept, ept)], idx_v)
        zeros = jnp.zeros((L,), jnp.float32)
        ones = jnp.ones((L,), jnp.float32)

        def zbody(i, carry):
            deg_v[pl.ds(i * L, L)] = zeros
            return carry
        lax.fori_loop(0, npad // L, zbody, 0)

        def body(i, carry):
            idx = idx_v[pl.ds(i * L, L)]
            plsc.addupdate_scatter(deg_v, [idx], ones)
            return carry
        lax.fori_loop(0, nchunk16, body, 0)
        pltpu.sync_copy(deg_v, out_hbm.at[pl.ds(wid * npad, npad)])

    return deg_kernel(dst_p)


def _tc_dinv(deg_parts):
    npad = deg_parts.shape[1]

    def body(deg_ref, out_ref):
        deg = jnp.sum(deg_ref[...], axis=0) + 1.0
        out_ref[...] = lax.rsqrt(deg)

    return pl.pallas_call(
        body,
        out_shape=jax.ShapeDtypeStruct((npad,), jnp.float32),
    )(deg_parts)


def _tc_xs(x, dinv_col):
    def body(x_ref, d_ref, out_ref):
        out_ref[...] = x_ref[...] * d_ref[...]

    return pl.pallas_call(
        body,
        out_shape=jax.ShapeDtypeStruct(x.shape, jnp.float32),
    )(x, dinv_col)


def _sc_agg(src2d, dst2d, xs, nrows_sh):
    n, d = xs.shape
    ncht = src2d.shape[0] // NS
    rows_per_tile_out = nrows_sh // NS
    zch = nrows_sh // (NS * CH)
    mesh = plsc.VectorSubcoreMesh(core_axis_name="c", subcore_axis_name="s",
                                  num_cores=NC, num_subcores=NS)

    NCH0 = (ncht * 3) // 4
    NCH0 = (NCH0 // 8) * 8
    NCH1 = ncht - NCH0
    G = 4
    nch_max = max(NCH0, NCH1)

    @functools.partial(
        pl.kernel,
        out_type=jax.ShapeDtypeStruct((NC, nrows_sh, d), jnp.float32),
        mesh=mesh,
        compiler_params=pltpu.CompilerParams(needs_layout_passes=False),
        scratch_types=[
            pltpu.VMEM((G, CH), jnp.int32),
            pltpu.VMEM((G, CH), jnp.int32),
            pltpu.VMEM((nch_max, CH), jnp.int32),
            pltpu.VMEM((CH, d), jnp.float32),
            pltpu.VMEM((CH, d), jnp.float32),
            pltpu.VMEM_SHARED((nrows_sh, d), jnp.float32),
            pltpu.SemaphoreType.DMA((2,)),
            pltpu.SemaphoreType.DMA((2,)),
        ],
    )
    def agg_kernel(src_hbm, dst_hbm, xs_hbm, out_hbm,
                   sxA, sxB, didx_v, r0, r1, agg_sh, lsem, gsem):
        slots = (sxA, sxB)
        rows = (r0, r1)
        cid = lax.axis_index("c")
        sid = lax.axis_index("s")
        base = jnp.where(cid == 0, sid * NCH0, NS * NCH0 + sid * NCH1)

        def sidx_load_desc(m, sl):
            return pltpu.make_async_copy(
                src_hbm.at[pl.ds(base + m * G, G)], slots[sl],
                lsem.at[sl])

        def gather_desc(slot, row, b):
            return pltpu.make_async_copy(xs_hbm.at[slot.at[row]], rows[b],
                                         gsem.at[b])

        sidx_load_desc(0, 0).start()

        zeros = jnp.zeros((L,), jnp.float32)

        def zv(k, carry):
            r0[k >> 3, pl.ds((k & 7) * L, L)] = zeros
            return carry
        lax.fori_loop(0, CH * (d // L), zv, 0)

        def zs(k, carry):
            pltpu.sync_copy(r0, agg_sh.at[pl.ds(sid * rows_per_tile_out
                                                + k * CH, CH)])
            return carry
        lax.fori_loop(0, zch, zs, 0)

        ztail = rows_per_tile_out - zch * CH
        if ztail:
            pltpu.sync_copy(
                r0.at[pl.ds(0, ztail)],
                agg_sh.at[pl.ds(sid * rows_per_tile_out + zch * CH, ztail)])
        plsc.subcore_barrier()

        def run_core(nch):
            NB = nch // G
            pltpu.sync_copy(dst_hbm.at[pl.ds(base, nch)],
                            didx_v.at[pl.ds(0, nch)])
            sidx_load_desc(1, 1).start()
            sidx_load_desc(0, 0).wait()
            gather_desc(sxA, 0, 0).start()
            gather_desc(sxA, 1, 1).start()

            def pair(p, carry):
                for mb in range(2):
                    m = 2 * p + mb
                    cur, nxt = slots[mb], slots[1 - mb]
                    for j in range(G):
                        i = m * G + j
                        b = j & 1
                        gather_desc(cur, j, b).wait()
                        pltpu.sync_copy(rows[b], agg_sh.at[didx_v.at[i]],
                                        add=True)
                        if j < G - 2:
                            gather_desc(cur, j + 2, b).start()
                        else:
                            @pl.when(m + 1 < NB)
                            def _():
                                if j == G - 2:
                                    sidx_load_desc(m + 1, 1 - mb).wait()
                                gather_desc(nxt, j + 2 - G, b).start()
                    @pl.when(m + 2 < NB)
                    def _():
                        sidx_load_desc(m + 2, mb).start()
                return carry
            lax.fori_loop(0, NB // 2, pair, 0)

        @pl.when(cid == 0)
        def _():
            run_core(NCH0)

        @pl.when(cid == 1)
        def _():
            run_core(NCH1)
        plsc.subcore_barrier()

        pltpu.sync_copy(
            agg_sh.at[pl.ds(sid * rows_per_tile_out, rows_per_tile_out)],
            out_hbm.at[cid, pl.ds(sid * rows_per_tile_out, rows_per_tile_out)])

    return agg_kernel(src2d, dst2d, xs)


def _tc_final(agg, xs, dinv_col, W, b2, al2):
    n, d = xs.shape
    d_out = W.shape[1]
    blk = 1000

    def body(a_ref, xs_ref, d_ref, w_ref, b_ref, al_ref, out_ref):
        t = (a_ref[0] + a_ref[1] + xs_ref[...]) * d_ref[...]
        o = jnp.dot(t, w_ref[...], preferred_element_type=jnp.float32)
        o = o + b_ref[...]
        out_ref[...] = jnp.where(o > 0, o, al_ref[...] * o)

    return pl.pallas_call(
        body,
        grid=(n // blk,),
        in_specs=[
            pl.BlockSpec((NC, blk, d), lambda i: (0, i, 0)),
            pl.BlockSpec((blk, d), lambda i: (i, 0)),
            pl.BlockSpec((blk, 1), lambda i: (i, 0)),
            pl.BlockSpec((d, d_out), lambda i: (0, 0)),
            pl.BlockSpec((1, d_out), lambda i: (0, 0)),
            pl.BlockSpec((1, d_out), lambda i: (0, 0)),
        ],
        out_specs=pl.BlockSpec((blk, d_out), lambda i: (i, 0)),
        out_shape=jax.ShapeDtypeStruct((n, d_out), jnp.float32),
    )(agg, xs, dinv_col, W, b2, al2)


def kernel(x, edge_index, W, b, alpha):
    n, d_in = x.shape
    e = edge_index.shape[1]

    ept = -(-e // (NW * 8 * CH)) * 8 * CH
    ep = ept * NW
    nch = ept // CH
    npad = -(-(n + 1) // CH) * CH
    nrows_sh = 10112

    src = edge_index[0]
    dst = edge_index[1]
    pad = ep - e
    src_p = jnp.concatenate([src, jnp.zeros((pad,), jnp.int32)])
    dst_p = jnp.concatenate([dst, jnp.full((pad,), n, jnp.int32)])
    src2d = src_p.reshape(NW * nch, CH)
    dst2d = dst_p.reshape(NW * nch, CH)

    deg_parts = _sc_deg(dst_p, npad, ept).reshape(NW, npad)
    dinv_flat = _tc_dinv(deg_parts)
    dinv_col = dinv_flat[:n, None]
    xs = _tc_xs(x, dinv_col)
    agg = _sc_agg(src2d, dst2d, xs, nrows_sh)
    out = _tc_final(agg, xs, dinv_col, W,
                    b.reshape(1, -1), alpha.reshape(1, -1))
    return out

# --- scband reference (transcript-rebuilt; emitter-appended) ---
"""Pipeline reference for scband-encoder-19559281066222 (READ-ONLY COPY).

The authoritative reference and input builder live on the scoring server;
editing this copy changes nothing except your own understanding.
"""

import jax, jax.numpy as jnp
import numpy as np

N = 10000
E = 320000
D_IN = 128
D_OUT = 512


def setup_inputs(seed: int = 0) -> dict:
    key = jax.random.key(seed)
    k1, k2, k3 = jax.random.split(key, 3)
    x = jax.random.normal(k1, (N, D_IN), dtype=jnp.float32)
    edge_index = jax.random.randint(k2, (2, E), 0, N, dtype=jnp.int32)
    # GCNConv learned params (in_channels=D_IN, out_channels=D_OUT)
    W = jax.random.normal(k3, (D_IN, D_OUT), dtype=jnp.float32) * (1.0 / np.sqrt(D_IN))
    b = jnp.zeros((D_OUT,), dtype=jnp.float32)
    # PReLU per-channel weight, torch default init 0.25
    alpha = jnp.full((D_OUT,), 0.25, dtype=jnp.float32)
    return {"x": x, "edge_index": edge_index, "W": W, "b": b, "alpha": alpha}


def reference(x, edge_index, W, b, alpha):
    n = x.shape[0]
    # --- GCNConv (corrupt=False path): add self loops, symmetric normalization ---
    loop = jnp.arange(n, dtype=edge_index.dtype)
    src = jnp.concatenate([edge_index[0], loop])
    dst = jnp.concatenate([edge_index[1], loop])
    h = x @ W
    deg = jnp.zeros((n,), dtype=x.dtype).at[dst].add(1.0)
    deg_inv_sqrt = jnp.where(deg > 0, 1.0 / jnp.sqrt(deg), 0.0)
    norm = deg_inv_sqrt[src] * deg_inv_sqrt[dst]
    msg = h[src] * norm[:, None]
    out = jnp.zeros((n, h.shape[1]), dtype=x.dtype).at[dst].add(msg) + b
    # --- PReLU ---
    return jnp.where(out > 0, out, alpha * out)

if __name__ == "__main__":
    import jax
    _d = setup_inputs()
    print(jax.jit(kernel)(*tuple(_d.values())))

</pallas_src>

<mosaic_0001>
#map = affine_map<(d0, d1) -> (0)>
module attributes {stable_mosaic.version = 14 : i64} {
  func.func @deg_kernel(%arg0: i32, %arg1: i32, %arg2: memref<327680xi32, #tpu.memory_space<hbm>>, %arg3: memref<323584xf32, #tpu.memory_space<hbm>>, %arg4: memref<10240xi32, #tpu.memory_space<vmem>>, %arg5: memref<10112xf32, #tpu.memory_space<vmem>>) attributes {dimension_semantics = [#tpu.dimension_semantics<core_parallel>, #tpu.dimension_semantics<subcore_parallel>], iteration_bounds = array<i64: 2, 16>, scalar_prefetch = 0 : i64, scratch_operands = 2 : i64, tpu.core_type = #tpu.core_type<sc_vector_subcore>, window_params = [{transform_indices = #map}, {transform_indices = #map}]} {
    %mul3A = arith.constant 2 : i32
    %mul3A_0 = arith.muli %arg1, %mul3A : i32
    %add3A = arith.addi %mul3A_0, %arg0 : i32
    %mul3A_1 = arith.constant 10240 : i32
    %mul3A_2 = arith.muli %add3A, %mul3A_1 : i32
    "tpu.region"() ({
      %run_scoped3A = tpu.sem_alloc : memref<!tpu.dma_semaphore, #tpu.memory_space<semaphore_mem>>
      %dma_start3A = tpu.memref_slice %arg2[%mul3A_2] : memref<327680xi32, #tpu.memory_space<hbm>> -> memref<10240xi32, #tpu.memory_space<hbm>>
      %dma_start3A_19 = tpu.memref_slice %arg2[%mul3A_2] : memref<327680xi32, #tpu.memory_space<hbm>> -> memref<10240xi32, #tpu.memory_space<hbm>>
      tpu.enqueue_dma source(%dma_start3A_19 : memref<10240xi32, #tpu.memory_space<hbm>>) target(%arg4 : memref<10240xi32, #tpu.memory_space<vmem>>) target_semaphore(%run_scoped3A : memref<!tpu.dma_semaphore, #tpu.memory_space<semaphore_mem>>)
      %dma_wait3A = tpu.memref_slice %arg2[%mul3A_2] : memref<327680xi32, #tpu.memory_space<hbm>> -> memref<10240xi32, #tpu.memory_space<hbm>>
      %dma_wait3A_20 = tpu.memref_slice %arg2[%mul3A_2] : memref<327680xi32, #tpu.memory_space<hbm>> -> memref<10240xi32, #tpu.memory_space<hbm>>
      tpu.wait_dma2 semaphore(%run_scoped3A : memref<!tpu.dma_semaphore, #tpu.memory_space<semaphore_mem>>) src(%dma_wait3A_20 : memref<10240xi32, #tpu.memory_space<hbm>>) dst(%arg4 : memref<10240xi32, #tpu.memory_space<vmem>>)
      tpu.yield
    }) : () -> ()
    %broadcast_in_dim3A = arith.constant 0.000000e+00 : f32
    %broadcast_in_dim3A_3 = vector.broadcast %broadcast_in_dim3A : f32 to vector<16xf32>
    %broadcast_in_dim3A_4 = arith.constant 1.000000e+00 : f32
    %broadcast_in_dim3A_5 = vector.broadcast %broadcast_in_dim3A_4 : f32 to vector<16xf32>
    %scan3A = arith.constant 0 : i32
    %scan3A_6 = arith.constant 0 : i32
    %scan3A_7 = arith.constant 632 : i32
    %scan3A_8 = arith.addi %scan3A_6, %scan3A_7 : i32
    %scan3A_9 = arith.constant 1 : i32
    scf.for %scan3A_19 = %scan3A_6 to %scan3A_8 step %scan3A_9  : i32 {
      %mul3A_20 = arith.constant 16 : i32
      %mul3A_21 = arith.muli %scan3A_19, %mul3A_20 : i32
      %swap3A = arith.index_cast %mul3A_21 : i32 to index
      %swap3A_22 = tpu.vector_load %arg5[%swap3A] {strides = array<i32>} : memref<10112xf32, #tpu.memory_space<vmem>>, vector<16xf32>,
      tpu.vector_store %arg5[%swap3A], %broadcast_in_dim3A_3 {strides = array<i32>} : memref<10112xf32, #tpu.memory_space<vmem>>, vector<16xf32>,
    }
    %scan3A_10 = arith.constant 632 : i32
    %scan3A_11 = arith.constant 0 : i32
    %scan3A_12 = arith.constant 0 : i32
    %scan3A_13 = arith.constant 640 : i32
    %scan3A_14 = arith.addi %scan3A_12, %scan3A_13 : i32
    %scan3A_15 = arith.constant 1 : i32
    scf.for %scan3A_19 = %scan3A_12 to %scan3A_14 step %scan3A_15  : i32 {
      %mul3A_20 = arith.constant 16 : i32
      %mul3A_21 = arith.muli %scan3A_19, %mul3A_20 : i32
      %get3A = arith.index_cast %mul3A_21 : i32 to index
      %get3A_22 = tpu.vector_load %arg4[%get3A] {strides = array<i32>} : memref<10240xi32, #tpu.memory_space<vmem>>, vector<16xi32>,
      tpu.vector_store_idx %arg5[%get3A_22], %broadcast_in_dim3A_5 {add = true} : memref<10112xf32, #tpu.memory_space<vmem>>[vector<16xi32>], vector<16xf32>,
    }
    %scan3A_16 = arith.constant 640 : i32
    %mul3A_17 = arith.constant 10112 : i32
    %mul3A_18 = arith.muli %add3A, %mul3A_17 : i32
    "tpu.region"() ({
      %run_scoped3A = tpu.sem_alloc : memref<!tpu.dma_semaphore, #tpu.memory_space<semaphore_mem>>
      %dma_start3A = tpu.memref_slice %arg3[%mul3A_18] : memref<323584xf32, #tpu.memory_space<hbm>> -> memref<10112xf32, #tpu.memory_space<hbm>>
      %dma_start3A_19 = tpu.memref_slice %arg3[%mul3A_18] : memref<323584xf32, #tpu.memory_space<hbm>> -> memref<10112xf32, #tpu.memory_space<hbm>>
      tpu.enqueue_dma source(%arg5 : memref<10112xf32, #tpu.memory_space<vmem>>) target(%dma_start3A_19 : memref<10112xf32, #tpu.memory_space<hbm>>) target_semaphore(%run_scoped3A : memref<!tpu.dma_semaphore, #tpu.memory_space<semaphore_mem>>)
      %dma_wait3A = tpu.memref_slice %arg3[%mul3A_18] : memref<323584xf32, #tpu.memory_space<hbm>> -> memref<10112xf32, #tpu.memory_space<hbm>>
      %dma_wait3A_20 = tpu.memref_slice %arg3[%mul3A_18] : memref<323584xf32, #tpu.memory_space<hbm>> -> memref<10112xf32, #tpu.memory_space<hbm>>
      tpu.wait_dma2 semaphore(%run_scoped3A : memref<!tpu.dma_semaphore, #tpu.memory_space<semaphore_mem>>) src(%arg5 : memref<10112xf32, #tpu.memory_space<vmem>>) dst(%dma_wait3A_20 : memref<10112xf32, #tpu.memory_space<hbm>>)
      tpu.yield
    }) : () -> ()
    return
  }
}

#map = affine_map<(d0, d1) -> (0, 0)>
#map1 = affine_map<(d0, d1) -> (0, 0, 0)>
module attributes {stable_mosaic.version = 14 : i64} {
  func.func @agg_kernel(%arg0: i32, %arg1: i32, %arg2: memref<2560x128xi32, #tpu.memory_space<hbm>>, %arg3: memref<2560x128xi32, #tpu.memory_space<hbm>>, %arg4: memref<10000x128xf32, #tpu.memory_space<hbm>>, %arg5: memref<2x10112x128xf32, #tpu.memory_space<hbm>>, %arg6: memref<4x128xi32, #tpu.memory_space<vmem>>, %arg7: memref<4x128xi32, #tpu.memory_space<vmem>>, %arg8: memref<120x128xi32, #tpu.memory_space<vmem>>, %arg9: memref<128x128xf32, #tpu.memory_space<vmem>>, %arg10: memref<128x128xf32, #tpu.memory_space<vmem>>, %arg11: memref<10112x128xf32, #tpu.memory_space<vmem_shared>>, %arg12: memref<2x!tpu.dma_semaphore, #tpu.memory_space<semaphore_mem>>, %arg13: memref<2x!tpu.dma_semaphore, #tpu.memory_space<semaphore_mem>>) attributes {dimension_semantics = [#tpu.dimension_semantics<core_parallel>, #tpu.dimension_semantics<subcore_parallel>], iteration_bounds = array<i64: 2, 16>, scalar_prefetch = 0 : i64, scratch_operands = 8 : i64, tpu.core_type = #tpu.core_type<sc_vector_subcore>, window_params = [{transform_indices = #map}, {transform_indices = #map}, {transform_indices = #map}, {transform_indices = #map1}]} {
    %eq3A = arith.constant 0 : i32
    %eq3A_0 = arith.cmpi eq, %arg0, %eq3A : i32
    %mul3A = arith.constant 120 : i32
    %mul3A_1 = arith.muli %arg1, %mul3A : i32
    %mul3A_2 = arith.constant 40 : i32
    %mul3A_3 = arith.muli %arg1, %mul3A_2 : i32
    %add3A = arith.constant 1920 : i32
    %add3A_4 = arith.addi %add3A, %mul3A_3 : i32
    %select_n3A = arith.select %eq3A_0, %mul3A_1, %add3A_4 : i32
    %add3A_5 = arith.constant 0 : i32
    %add3A_6 = arith.addi %select_n3A, %add3A_5 : i32
    %dma_start3A = arith.constant 0 : i32
    %dma_start3A_7 = arith.constant 0 : i32
    %dma_start3A_8 = tpu.memref_slice %arg2[%add3A_6, %dma_start3A_7] : memref<2560x128xi32, #tpu.memory_space<hbm>> -> memref<4x128xi32, #tpu.memory_space<hbm>>
    %dma_start3A_9 = tpu.memref_slice %arg12[%dma_start3A] : memref<2x!tpu.dma_semaphore, #tpu.memory_space<semaphore_mem>> -> memref<1x!tpu.dma_semaphore, #tpu.memory_space<semaphore_mem>>
    %dma_start3A_10 = tpu.memref_squeeze %dma_start3A_9 : memref<1x!tpu.dma_semaphore, #tpu.memory_space<semaphore_mem>> -> memref<!tpu.dma_semaphore, #tpu.memory_space<semaphore_mem>>
    %dma_start3A_11 = arith.constant 0 : i32
    %dma_start3A_12 = tpu.memref_slice %arg2[%add3A_6, %dma_start3A_11] : memref<2560x128xi32, #tpu.memory_space<hbm>> -> memref<4x128xi32, #tpu.memory_space<hbm>>
    tpu.enqueue_dma source(%dma_start3A_12 : memref<4x128xi32, #tpu.memory_space<hbm>>) target(%arg6 : memref<4x128xi32, #tpu.memory_space<vmem>>) target_semaphore(%dma_start3A_10 : memref<!tpu.dma_semaphore, #tpu.memory_space<semaphore_mem>>)
    %broadcast_in_dim3A = arith.constant 0.000000e+00 : f32
    %broadcast_in_dim3A_13 = vector.broadcast %broadcast_in_dim3A : f32 to vector<16xf32>
    %scan3A = arith.constant 0 : i32
    %scan3A_14 = arith.constant 0 : i32
    %scan3A_15 = arith.constant 1024 : i32
    %scan3A_16 = arith.addi %scan3A_14, %scan3A_15 : i32
    %scan3A_17 = arith.constant 1 : i32
    scf.for %scan3A_42 = %scan3A_14 to %scan3A_16 step %scan3A_17  : i32 {
      %shift_right_arithmetic3A = arith.constant 3 : i32
      %shift_right_arithmetic3A_43 = arith.shrsi %scan3A_42, %shift_right_arithmetic3A : i32
      %and3A = arith.constant 7 : i32
      %and3A_44 = arith.andi %scan3A_42, %and3A : i32
      %mul3A_45 = arith.constant 16 : i32
      %mul3A_46 = arith.muli %and3A_44, %mul3A_45 : i32
      %swap3A = arith.index_cast %shift_right_arithmetic3A_43 : i32 to index
      %swap3A_47 = arith.index_cast %mul3A_46 : i32 to index
      %swap3A_48 = tpu.vector_load %arg9[%swap3A, %swap3A_47] {strides = array<i32>} : memref<128x128xf32, #tpu.memory_space<vmem>>, vector<16xf32>,
      tpu.vector_store %arg9[%swap3A, %swap3A_47], %broadcast_in_dim3A_13 {strides = array<i32>} : memref<128x128xf32, #tpu.memory_space<vmem>>, vector<16xf32>,
    }
    %scan3A_18 = arith.constant 1024 : i32
    %scan3A_19 = arith.constant 0 : i32
    %scan3A_20 = arith.constant 0 : i32
    %scan3A_21 = arith.constant 4 : i32
    %scan3A_22 = arith.addi %scan3A_20, %scan3A_21 : i32
    %scan3A_23 = arith.constant 1 : i32
    scf.for %scan3A_42 = %scan3A_20 to %scan3A_22 step %scan3A_23  : i32 {
      %mul3A_43 = arith.constant 632 : i32
      %mul3A_44 = arith.muli %arg1, %mul3A_43 : i32
      %mul3A_45 = arith.constant 128 : i32
      %mul3A_46 = arith.muli %scan3A_42, %mul3A_45 : i32
      %add3A_47 = arith.addi %mul3A_44, %mul3A_46 : i32
      "tpu.region"() ({
        %run_scoped3A = tpu.sem_alloc : memref<!tpu.dma_semaphore, #tpu.memory_space<semaphore_mem>>
        %dma_start3A_48 = arith.constant 0 : i32
        %dma_start3A_49 = tpu.memref_slice %arg11[%add3A_47, %dma_start3A_48] : memref<10112x128xf32, #tpu.memory_space<vmem_shared>> -> memref<128x128xf32, #tpu.memory_space<vmem_shared>>
        %dma_start3A_50 = arith.constant 0 : i32
        %dma_start3A_51 = tpu.memref_slice %arg11[%add3A_47, %dma_start3A_50] : memref<10112x128xf32, #tpu.memory_space<vmem_shared>> -> memref<128x128xf32, #tpu.memory_space<vmem_shared>>
        tpu.enqueue_dma source(%arg9 : memref<128x128xf32, #tpu.memory_space<vmem>>) target(%dma_start3A_51 : memref<128x128xf32, #tpu.memory_space<vmem_shared>>) target_semaphore(%run_scoped3A : memref<!tpu.dma_semaphore, #tpu.memory_space<semaphore_mem>>)
        %dma_wait3A = arith.constant 0 : i32
        %dma_wait3A_52 = tpu.memref_slice %arg11[%add3A_47, %dma_wait3A] : memref<10112x128xf32, #tpu.memory_space<vmem_shared>> -> memref<128x128xf32, #tpu.memory_space<vmem_shared>>
        %dma_wait3A_53 = arith.constant 0 : i32
        %dma_wait3A_54 = tpu.memref_slice %arg11[%add3A_47, %dma_wait3A_53] : memref<10112x128xf32, #tpu.memory_space<vmem_shared>> -> memref<128x128xf32, #tpu.memory_space<vmem_shared>>
        tpu.wait_dma2 semaphore(%run_scoped3A : memref<!tpu.dma_semaphore, #tpu.memory_space<semaphore_mem>>) src(%arg9 : memref<128x128xf32, #tpu.memory_space<vmem>>) dst(%dma_wait3A_54 : memref<128x128xf32, #tpu.memory_space<vmem_shared>>)
        tpu.yield
      }) : () -> ()
    }
    %scan3A_24 = arith.constant 4 : i32
    %mul3A_25 = arith.constant 632 : i32
    %mul3A_26 = arith.muli %arg1, %mul3A_25 : i32
    %add3A_27 = arith.constant 512 : i32
    %add3A_28 = arith.addi %mul3A_26, %add3A_27 : i32
    "tpu.region"() ({
      %run_scoped3A = tpu.sem_alloc : memref<!tpu.dma_semaphore, #tpu.memory_space<semaphore_mem>>
      %dma_start3A_42 = arith.constant 0 : i32
      %dma_start3A_43 = arith.constant 0 : i32
      %dma_start3A_44 = tpu.memref_slice %arg9[%dma_start3A_42, %dma_start3A_43] : memref<128x128xf32, #tpu.memory_space<vmem>> -> memref<120x128xf32, #tpu.memory_space<vmem>>
      %dma_start3A_45 = arith.constant 0 : i32
      %dma_start3A_46 = tpu.memref_slice %arg11[%add3A_28, %dma_start3A_45] : memref<10112x128xf32, #tpu.memory_space<vmem_shared>> -> memref<120x128xf32, #tpu.memory_space<vmem_shared>>
      %dma_start3A_47 = arith.constant 0 : i32
      %dma_start3A_48 = tpu.memref_slice %arg11[%add3A_28, %dma_start3A_47] : memref<10112x128xf32, #tpu.memory_space<vmem_shared>> -> memref<120x128xf32, #tpu.memory_space<vmem_shared>>
      %dma_start3A_49 = arith.constant 0 : i32
      %dma_start3A_50 = arith.constant 0 : i32
      %dma_start3A_51 = tpu.memref_slice %arg9[%dma_start3A_49, %dma_start3A_50] : memref<128x128xf32, #tpu.memory_space<vmem>> -> memref<120x128xf32, #tpu.memory_space<vmem>>
      tpu.enqueue_dma source(%dma_start3A_51 : memref<120x128xf32, #tpu.memory_space<vmem>>) target(%dma_start3A_48 : memref<120x128xf32, #tpu.memory_space<vmem_shared>>) target_semaphore(%run_scoped3A : memref<!tpu.dma_semaphore, #tpu.memory_space<semaphore_mem>>)
      %dma_wait3A = arith.constant 0 : i32
      %dma_wait3A_52 = arith.constant 0 : i32
      %dma_wait3A_53 = tpu.memref_slice %arg9[%dma_wait3A, %dma_wait3A_52] : memref<128x128xf32, #tpu.memory_space<vmem>> -> memref<120x128xf32, #tpu.memory_space<vmem>>
      %dma_wait3A_54 = arith.constant 0 : i32
      %dma_wait3A_55 = tpu.memref_slice %arg11[%add3A_28, %dma_wait3A_54] : memref<10112x128xf32, #tpu.memory_space<vmem_shared>> -> memref<120x128xf32, #tpu.memory_space<vmem_shared>>
      %dma_wait3A_56 = arith.constant 0 : i32
      %dma_wait3A_57 = tpu.memref_slice %arg11[%add3A_28, %dma_wait3A_56] : memref<10112x128xf32, #tpu.memory_space<vmem_shared>> -> memref<120x128xf32, #tpu.memory_space<vmem_shared>>
      %dma_wait3A_58 = arith.constant 0 : i32
      %dma_wait3A_59 = arith.constant 0 : i32
      %dma_wait3A_60 = tpu.memref_slice %arg9[%dma_wait3A_58, %dma_wait3A_59] : memref<128x128xf32, #tpu.memory_space<vmem>> -> memref<120x128xf32, #tpu.memory_space<vmem>>
      tpu.wait_dma2 semaphore(%run_scoped3A : memref<!tpu.dma_semaphore, #tpu.memory_space<semaphore_mem>>) src(%dma_wait3A_60 : memref<120x128xf32, #tpu.memory_space<vmem>>) dst(%dma_wait3A_57 : memref<120x128xf32, #tpu.memory_space<vmem_shared>>)
      tpu.yield
    }) : () -> ()
    %barrier3A = arith.constant 0 : index
    tpu.barrier barrier_id(%barrier3A)
    %eq3A_29 = arith.constant 0 : i32
    %eq3A_30 = arith.cmpi eq, %arg0, %eq3A_29 : i32
    %convert_element_type3A = arith.extui %eq3A_30 : i1 to i32
    %cond3A = arith.constant 0 : i32
    %cond3A_31 = arith.cmpi ne, %convert_element_type3A, %cond3A : i32
    scf.if %cond3A_31 {
      "tpu.region"() ({
        %run_scoped3A = tpu.sem_alloc : memref<!tpu.dma_semaphore, #tpu.memory_space<semaphore_mem>>
        %dma_start3A_85 = arith.constant 0 : i32
        %dma_start3A_86 = arith.constant 0 : i32
        %dma_start3A_87 = tpu.memref_slice %arg8[%dma_start3A_85, %dma_start3A_86] : memref<120x128xi32, #tpu.memory_space<vmem>> -> memref<120x128xi32, #tpu.memory_space<vmem>>
        %dma_start3A_88 = arith.constant 0 : i32
        %dma_start3A_89 = tpu.memref_slice %arg3[%select_n3A, %dma_start3A_88] : memref<2560x128xi32, #tpu.memory_space<hbm>> -> memref<120x128xi32, #tpu.memory_space<hbm>>
        %dma_start3A_90 = arith.constant 0 : i32
        %dma_start3A_91 = arith.constant 0 : i32
        %dma_start3A_92 = tpu.memref_slice %arg8[%dma_start3A_90, %dma_start3A_91] : memref<120x128xi32, #tpu.memory_space<vmem>> -> memref<120x128xi32, #tpu.memory_space<vmem>>
        %dma_start3A_93 = arith.constant 0 : i32
        %dma_start3A_94 = tpu.memref_slice %arg3[%select_n3A, %dma_start3A_93] : memref<2560x128xi32, #tpu.memory_space<hbm>> -> memref<120x128xi32, #tpu.memory_space<hbm>>
        tpu.enqueue_dma source(%dma_start3A_94 : memref<120x128xi32, #tpu.memory_space<hbm>>) target(%dma_start3A_92 : memref<120x128xi32, #tpu.memory_space<vmem>>) target_semaphore(%run_scoped3A : memref<!tpu.dma_semaphore, #tpu.memory_space<semaphore_mem>>)
        %dma_wait3A_95 = arith.constant 0 : i32
        %dma_wait3A_96 = arith.constant 0 : i32
        %dma_wait3A_97 = tpu.memref_slice %arg8[%dma_wait3A_95, %dma_wait3A_96] : memref<120x128xi32, #tpu.memory_space<vmem>> -> memref<120x128xi32, #tpu.memory_space<vmem>>
        %dma_wait3A_98 = arith.constant 0 : i32
        %dma_wait3A_99 = tpu.memref_slice %arg3[%select_n3A, %dma_wait3A_98] : memref<2560x128xi32, #tpu.memory_space<hbm>> -> memref<120x128xi32, #tpu.memory_space<hbm>>
        %dma_wait3A_100 = arith.constant 0 : i32
        %dma_wait3A_101 = arith.constant 0 : i32
        %dma_wait3A_102 = tpu.memref_slice %arg8[%dma_wait3A_100, %dma_wait3A_101] : memref<120x128xi32, #tpu.memory_space<vmem>> -> memref<120x128xi32, #tpu.memory_space<vmem>>
        %dma_wait3A_103 = arith.constant 0 : i32
        %dma_wait3A_104 = tpu.memref_slice %arg3[%select_n3A, %dma_wait3A_103] : memref<2560x128xi32, #tpu.memory_space<hbm>> -> memref<120x128xi32, #tpu.memory_space<hbm>>
        tpu.wait_dma2 semaphore(%run_scoped3A : memref<!tpu.dma_semaphore, #tpu.memory_space<semaphore_mem>>) src(%dma_wait3A_104 : memref<120x128xi32, #tpu.memory_space<hbm>>) dst(%dma_wait3A_102 : memref<120x128xi32, #tpu.memory_space<vmem>>)
        tpu.yield
      }) : () -> ()
      %add3A_42 = arith.constant 4 : i32
      %add3A_43 = arith.addi %select_n3A, %add3A_42 : i32
      %dma_start3A_44 = arith.constant 1 : i32
      %dma_start3A_45 = arith.constant 0 : i32
      %dma_start3A_46 = tpu.memref_slice %arg2[%add3A_43, %dma_start3A_45] : memref<2560x128xi32, #tpu.memory_space<hbm>> -> memref<4x128xi32, #tpu.memory_space<hbm>>
      %dma_start3A_47 = tpu.memref_slice %arg12[%dma_start3A_44] : memref<2x!tpu.dma_semaphore, #tpu.memory_space<semaphore_mem>> -> memref<1x!tpu.dma_semaphore, #tpu.memory_space<semaphore_mem>>
      %dma_start3A_48 = tpu.memref_squeeze %dma_start3A_47 : memref<1x!tpu.dma_semaphore, #tpu.memory_space<semaphore_mem>> -> memref<!tpu.dma_semaphore, #tpu.memory_space<semaphore_mem>>
      %dma_start3A_49 = arith.constant 0 : i32
      %dma_start3A_50 = tpu.memref_slice %arg2[%add3A_43, %dma_start3A_49] : memref<2560x128xi32, #tpu.memory_space<hbm>> -> memref<4x128xi32, #tpu.memory_space<hbm>>
      tpu.enqueue_dma source(%dma_start3A_50 : memref<4x128xi32, #tpu.memory_space<hbm>>) target(%arg7 : memref<4x128xi32, #tpu.memory_space<vmem>>) target_semaphore(%dma_start3A_48 : memref<!tpu.dma_semaphore, #tpu.memory_space<semaphore_mem>>)
      %add3A_51 = arith.constant 0 : i32
      %add3A_52 = arith.addi %select_n3A, %add3A_51 : i32
      %dma_wait3A = arith.constant 0 : i32
      %dma_wait3A_53 = arith.constant 0 : i32
      %dma_wait3A_54 = tpu.memref_slice %arg2[%add3A_52, %dma_wait3A_53] : memref<2560x128xi32, #tpu.memory_space<hbm>> -> memref<4x128xi32, #tpu.memory_space<hbm>>
      %dma_wait3A_55 = tpu.memref_slice %arg12[%dma_wait3A] : memref<2x!tpu.dma_semaphore, #tpu.memory_space<semaphore_mem>> -> memref<1x!tpu.dma_semaphore, #tpu.memory_space<semaphore_mem>>
      %dma_wait3A_56 = tpu.memref_squeeze %dma_wait3A_55 : memref<1x!tpu.dma_semaphore, #tpu.memory_space<semaphore_mem>> -> memref<!tpu.dma_semaphore, #tpu.memory_space<semaphore_mem>>
      %dma_wait3A_57 = arith.constant 0 : i32
      %dma_wait3A_58 = tpu.memref_slice %arg2[%add3A_52, %dma_wait3A_57] : memref<2560x128xi32, #tpu.memory_space<hbm>> -> memref<4x128xi32, #tpu.memory_space<hbm>>
      tpu.wait_dma2 semaphore(%dma_wait3A_56 : memref<!tpu.dma_semaphore, #tpu.memory_space<semaphore_mem>>) src(%dma_wait3A_58 : memref<4x128xi32, #tpu.memory_space<hbm>>) dst(%arg6 : memref<4x128xi32, #tpu.memory_space<vmem>>)
      %dma_start3A_59 = arith.constant 0 : i32
      %dma_start3A_60 = arith.constant 0 : i32
      %dma_start3A_61 = arith.constant 0 : i32
      %dma_start3A_62 = tpu.memref_slice %arg6[%dma_start3A_59, %dma_start3A_61] : memref<4x128xi32, #tpu.memory_space<vmem>> -> memref<1x128xi32, #tpu.memory_space<vmem>>
      %dma_start3A_63 = tpu.memref_squeeze %dma_start3A_62 : memref<1x128xi32, #tpu.memory_space<vmem>> -> memref<128xi32, #tpu.memory_space<vmem>>
      %dma_start3A_64 = arith.constant 0 : i32
      %dma_start3A_65 = arith.constant 0 : i32
      %dma_start3A_66 = tpu.memref_slice %arg4[%dma_start3A_64, %dma_start3A_65] : memref<10000x128xf32, #tpu.memory_space<hbm>> -> memref<10000x128xf32, #tpu.memory_space<hbm>>
      %dma_start3A_67 = tpu.memref_slice %arg13[%dma_start3A_60] : memref<2x!tpu.dma_semaphore, #tpu.memory_space<semaphore_mem>> -> memref<1x!tpu.dma_semaphore, #tpu.memory_space<semaphore_mem>>
      %dma_start3A_68 = tpu.memref_squeeze %dma_start3A_67 : memref<1x!tpu.dma_semaphore, #tpu.memory_space<semaphore_mem>> -> memref<!tpu.dma_semaphore, #tpu.memory_space<semaphore_mem>>
      tpu.enqueue_indirect_dma source(%dma_start3A_66 : memref<10000x128xf32, #tpu.memory_space<hbm>>) target(%arg9 : memref<128x128xf32, #tpu.memory_space<vmem>>) offsets(%dma_start3A_63 : memref<128xi32, #tpu.memory_space<vmem>>) semaphore(%dma_start3A_68 : memref<!tpu.dma_semaphore, #tpu.memory_space<semaphore_mem>>)
      %dma_start3A_69 = arith.constant 1 : i32
      %dma_start3A_70 = arith.constant 1 : i32
      %dma_start3A_71 = arith.constant 0 : i32
      %dma_start3A_72 = tpu.memref_slice %arg6[%dma_start3A_69, %dma_start3A_71] : memref<4x128xi32, #tpu.memory_space<vmem>> -> memref<1x128xi32, #tpu.memory_space<vmem>>
      %dma_start3A_73 = tpu.memref_squeeze %dma_start3A_72 : memref<1x128xi32, #tpu.memory_space<vmem>> -> memref<128xi32, #tpu.memory_space<vmem>>
      %dma_start3A_74 = arith.constant 0 : i32
      %dma_start3A_75 = arith.constant 0 : i32
      %dma_start3A_76 = tpu.memref_slice %arg4[%dma_start3A_74, %dma_start3A_75] : memref<10000x128xf32, #tpu.memory_space<hbm>> -> memref<10000x128xf32, #tpu.memory_space<hbm>>
      %dma_start3A_77 = tpu.memref_slice %arg13[%dma_start3A_70] : memref<2x!tpu.dma_semaphore, #tpu.memory_space<semaphore_mem>> -> memref<1x!tpu.dma_semaphore, #tpu.memory_space<semaphore_mem>>
      %dma_start3A_78 = tpu.memref_squeeze %dma_start3A_77 : memref<1x!tpu.dma_semaphore, #tpu.memory_space<semaphore_mem>> -> memref<!tpu.dma_semaphore, #tpu.memory_space<semaphore_mem>>
      tpu.enqueue_indirect_dma source(%dma_start3A_76 : memref<10000x128xf32, #tpu.memory_space<hbm>>) target(%arg10 : memref<128x128xf32, #tpu.memory_space<vmem>>) offsets(%dma_start3A_73 : memref<128xi32, #tpu.memory_space<vmem>>) semaphore(%dma_start3A_78 : memref<!tpu.dma_semaphore, #tpu.memory_space<semaphore_mem>>)
      %scan3A_79 = arith.constant 0 : i32
      %scan3A_80 = arith.constant 0 : i32
      %scan3A_81 = arith.constant 15 : i32
      %scan3A_82 = arith.addi %scan3A_80, %scan3A_81 : i32
      %scan3A_83 = arith.constant 1 : i32
      scf.for %scan3A_85 = %scan3A_80 to %scan3A_82 step %scan3A_83  : i32 {
        %mul3A_86 = arith.constant 2 : i32
        %mul3A_87 = arith.muli %mul3A_86, %scan3A_85 : i32
        %add3A_88 = arith.constant 0 : i32
        %add3A_89 = arith.addi %mul3A_87, %add3A_88 : i32
        %mul3A_90 = arith.constant 4 : i32
        %mul3A_91 = arith.muli %add3A_89, %mul3A_90 : i32
        %add3A_92 = arith.constant 0 : i32
        %add3A_93 = arith.addi %mul3A_91, %add3A_92 : i32
        %dma_wait3A_94 = arith.constant 0 : i32
        %dma_wait3A_95 = arith.constant 0 : i32
        %dma_wait3A_96 = arith.constant 0 : i32
        %dma_wait3A_97 = tpu.memref_slice %arg6[%dma_wait3A_94, %dma_wait3A_96] : memref<4x128xi32, #tpu.memory_space<vmem>> -> memref<1x128xi32, #tpu.memory_space<vmem>>
        %dma_wait3A_98 = tpu.memref_squeeze %dma_wait3A_97 : memref<1x128xi32, #tpu.memory_space<vmem>> -> memref<128xi32, #tpu.memory_space<vmem>>
        %dma_wait3A_99 = arith.constant 0 : i32
        %dma_wait3A_100 = arith.constant 0 : i32
        %dma_wait3A_101 = tpu.memref_slice %arg4[%dma_wait3A_99, %dma_wait3A_100] : memref<10000x128xf32, #tpu.memory_space<hbm>> -> memref<10000x128xf32, #tpu.memory_space<hbm>>
        %dma_wait3A_102 = tpu.memref_slice %arg13[%dma_wait3A_95] : memref<2x!tpu.dma_semaphore, #tpu.memory_space<semaphore_mem>> -> memref<1x!tpu.dma_semaphore, #tpu.memory_space<semaphore_mem>>
        %dma_wait3A_103 = tpu.memref_squeeze %dma_wait3A_102 : memref<1x!tpu.dma_semaphore, #tpu.memory_space<semaphore_mem>> -> memref<!tpu.dma_semaphore, #tpu.memory_space<semaphore_mem>>
        tpu.wait_indirect_dma semaphore(%dma_wait3A_103 : memref<!tpu.dma_semaphore, #tpu.memory_space<semaphore_mem>>) src(%dma_wait3A_101 : memref<10000x128xf32, #tpu.memory_space<hbm>>) dst(%arg9 : memref<128x128xf32, #tpu.memory_space<vmem>>)
        "tpu.region"() ({
          %run_scoped3A = tpu.sem_alloc : memref<!tpu.dma_semaphore, #tpu.memory_space<semaphore_mem>>
          %dma_start3A_287 = arith.constant 0 : i32
          %dma_start3A_288 = tpu.memref_slice %arg8[%add3A_93, %dma_start3A_287] : memref<120x128xi32, #tpu.memory_space<vmem>> -> memref<1x128xi32, #tpu.memory_space<vmem>>
          %dma_start3A_289 = tpu.memref_squeeze %dma_start3A_288 : memref<1x128xi32, #tpu.memory_space<vmem>> -> memref<128xi32, #tpu.memory_space<vmem>>
          %dma_start3A_290 = arith.constant 0 : i32
          %dma_start3A_291 = arith.constant 0 : i32
          %dma_start3A_292 = tpu.memref_slice %arg11[%dma_start3A_290, %dma_start3A_291] : memref<10112x128xf32, #tpu.memory_space<vmem_shared>> -> memref<10112x128xf32, #tpu.memory_space<vmem_shared>>
          tpu.enqueue_indirect_dma source(%arg9 : memref<128x128xf32, #tpu.memory_space<vmem>>) target(%dma_start3A_292 : memref<10112x128xf32, #tpu.memory_space<vmem_shared>>) offsets(%dma_start3A_289 : memref<128xi32, #tpu.memory_space<vmem>>) semaphore(%run_scoped3A : memref<!tpu.dma_semaphore, #tpu.memory_space<semaphore_mem>>) {add = true}
          %dma_wait3A_293 = arith.constant 0 : i32
          %dma_wait3A_294 = tpu.memref_slice %arg8[%add3A_93, %dma_wait3A_293] : memref<120x128xi32, #tpu.memory_space<vmem>> -> memref<1x128xi32, #tpu.memory_space<vmem>>
          %dma_wait3A_295 = tpu.memref_squeeze %dma_wait3A_294 : memref<1x128xi32, #tpu.memory_space<vmem>> -> memref<128xi32, #tpu.memory_space<vmem>>
          %dma_wait3A_296 = arith.constant 0 : i32
          %dma_wait3A_297 = arith.constant 0 : i32
          %dma_wait3A_298 = tpu.memref_slice %arg11[%dma_wait3A_296, %dma_wait3A_297] : memref<10112x128xf32, #tpu.memory_space<vmem_shared>> -> memref<10112x128xf32, #tpu.memory_space<vmem_shared>>
          tpu.wait_indirect_dma semaphore(%run_scoped3A : memref<!tpu.dma_semaphore, #tpu.memory_space<semaphore_mem>>) src(%arg9 : memref<128x128xf32, #tpu.memory_space<vmem>>) dst(%dma_wait3A_298 : memref<10112x128xf32, #tpu.memory_space<vmem_shared>>)
          tpu.yield
        }) : () -> ()
        %dma_start3A_104 = arith.constant 2 : i32
        %dma_start3A_105 = arith.constant 0 : i32
        %dma_start3A_106 = arith.constant 0 : i32
        %dma_start3A_107 = tpu.memref_slice %arg6[%dma_start3A_104, %dma_start3A_106] : memref<4x128xi32, #tpu.memory_space<vmem>> -> memref<1x128xi32, #tpu.memory_space<vmem>>
        %dma_start3A_108 = tpu.memref_squeeze %dma_start3A_107 : memref<1x128xi32, #tpu.memory_space<vmem>> -> memref<128xi32, #tpu.memory_space<vmem>>
        %dma_start3A_109 = arith.constant 0 : i32
        %dma_start3A_110 = arith.constant 0 : i32
        %dma_start3A_111 = tpu.memref_slice %arg4[%dma_start3A_109, %dma_start3A_110] : memref<10000x128xf32, #tpu.memory_space<hbm>> -> memref<10000x128xf32, #tpu.memory_space<hbm>>
        %dma_start3A_112 = tpu.memref_slice %arg13[%dma_start3A_105] : memref<2x!tpu.dma_semaphore, #tpu.memory_space<semaphore_mem>> -> memref<1x!tpu.dma_semaphore, #tpu.memory_space<semaphore_mem>>
        %dma_start3A_113 = tpu.memref_squeeze %dma_start3A_112 : memref<1x!tpu.dma_semaphore, #tpu.memory_space<semaphore_mem>> -> memref<!tpu.dma_semaphore, #tpu.memory_space<semaphore_mem>>
        tpu.enqueue_indirect_dma source(%dma_start3A_111 : memref<10000x128xf32, #tpu.memory_space<hbm>>) target(%arg9 : memref<128x128xf32, #tpu.memory_space<vmem>>) offsets(%dma_start3A_108 : memref<128xi32, #tpu.memory_space<vmem>>) semaphore(%dma_start3A_113 : memref<!tpu.dma_semaphore, #tpu.memory_space<semaphore_mem>>)
        %mul3A_114 = arith.constant 4 : i32
        %mul3A_115 = arith.muli %add3A_89, %mul3A_114 : i32
        %add3A_116 = arith.constant 1 : i32
        %add3A_117 = arith.addi %mul3A_115, %add3A_116 : i32
        %dma_wait3A_118 = arith.constant 1 : i32
        %dma_wait3A_119 = arith.constant 1 : i32
        %dma_wait3A_120 = arith.constant 0 : i32
        %dma_wait3A_121 = tpu.memref_slice %arg6[%dma_wait3A_118, %dma_wait3A_120] : memref<4x128xi32, #tpu.memory_space<vmem>> -> memref<1x128xi32, #tpu.memory_space<vmem>>
        %dma_wait3A_122 = tpu.memref_squeeze %dma_wait3A_121 : memref<1x128xi32, #tpu.memory_space<vmem>> -> memref<128xi32, #tpu.memory_space<vmem>>
        %dma_wait3A_123 = arith.constant 0 : i32
        %dma_wait3A_124 = arith.constant 0 : i32
        %dma_wait3A_125 = tpu.memref_slice %arg4[%dma_wait3A_123, %dma_wait3A_124] : memref<10000x128xf32, #tpu.memory_space<hbm>> -> memref<10000x128xf32, #tpu.memory_space<hbm>>
        %dma_wait3A_126 = tpu.memref_slice %arg13[%dma_wait3A_119] : memref<2x!tpu.dma_semaphore, #tpu.memory_space<semaphore_mem>> -> memref<1x!tpu.dma_semaphore, #tpu.memory_space<semaphore_mem>>
        %dma_wait3A_127 = tpu.memref_squeeze %dma_wait3A_126 : memref<1x!tpu.dma_semaphore, #tpu.memory_space<semaphore_mem>> -> memref<!tpu.dma_semaphore, #tpu.memory_space<semaphore_mem>>
        tpu.wait_indirect_dma semaphore(%dma_wait3A_127 : memref<!tpu.dma_semaphore, #tpu.memory_space<semaphore_mem>>) src(%dma_wait3A_125 : memref<10000x128xf32, #tpu.memory_space<hbm>>) dst(%arg10 : memref<128x128xf32, #tpu.memory_space<vmem>>)
        "tpu.region"() ({
          %run_scoped3A = tpu.sem_alloc : memref<!tpu.dma_semaphore, #tpu.memory_space<semaphore_mem>>
          %dma_start3A_287 = arith.constant 0 : i32
          %dma_start3A_288 = tpu.memref_slice %arg8[%add3A_117, %dma_start3A_287] : memref<120x128xi32, #tpu.memory_space<vmem>> -> memref<1x128xi32, #tpu.memory_space<vmem>>
          %dma_start3A_289 = tpu.memref_squeeze %dma_start3A_288 : memref<1x128xi32, #tpu.memory_space<vmem>> -> memref<128xi32, #tpu.memory_space<vmem>>
          %dma_start3A_290 = arith.constant 0 : i32
          %dma_start3A_291 = arith.constant 0 : i32
          %dma_start3A_292 = tpu.memref_slice %arg11[%dma_start3A_290, %dma_start3A_291] : memref<10112x128xf32, #tpu.memory_space<vmem_shared>> -> memref<10112x128xf32, #tpu.memory_space<vmem_shared>>
          tpu.enqueue_indirect_dma source(%arg10 : memref<128x128xf32, #tpu.memory_space<vmem>>) target(%dma_start3A_292 : memref<10112x128xf32, #tpu.memory_space<vmem_shared>>) offsets(%dma_start3A_289 : memref<128xi32, #tpu.memory_space<vmem>>) semaphore(%run_scoped3A : memref<!tpu.dma_semaphore, #tpu.memory_space<semaphore_mem>>) {add = true}
          %dma_wait3A_293 = arith.constant 0 : i32
          %dma_wait3A_294 = tpu.memref_slice %arg8[%add3A_117, %dma_wait3A_293] : memref<120x128xi32, #tpu.memory_space<vmem>> -> memref<1x128xi32, #tpu.memory_space<vmem>>
          %dma_wait3A_295 = tpu.memref_squeeze %dma_wait3A_294 : memref<1x128xi32, #tpu.memory_space<vmem>> -> memref<128xi32, #tpu.memory_space<vmem>>
          %dma_wait3A_296 = arith.constant 0 : i32
          %dma_wait3A_297 = arith.constant 0 : i32
          %dma_wait3A_298 = tpu.memref_slice %arg11[%dma_wait3A_296, %dma_wait3A_297] : memref<10112x128xf32, #tpu.memory_space<vmem_shared>> -> memref<10112x128xf32, #tpu.memory_space<vmem_shared>>
          tpu.wait_indirect_dma semaphore(%run_scoped3A : memref<!tpu.dma_semaphore, #tpu.memory_space<semaphore_mem>>) src(%arg10 : memref<128x128xf32, #tpu.memory_space<vmem>>) dst(%dma_wait3A_298 : memref<10112x128xf32, #tpu.memory_space<vmem_shared>>)
          tpu.yield
        }) : () -> ()
        %dma_start3A_128 = arith.constant 3 : i32
        %dma_start3A_129 = arith.constant 1 : i32
        %dma_start3A_130 = arith.constant 0 : i32
        %dma_start3A_131 = tpu.memref_slice %arg6[%dma_start3A_128, %dma_start3A_130] : memref<4x128xi32, #tpu.memory_space<vmem>> -> memref<1x128xi32, #tpu.memory_space<vmem>>
        %dma_start3A_132 = tpu.memref_squeeze %dma_start3A_131 : memref<1x128xi32, #tpu.memory_space<vmem>> -> memref<128xi32, #tpu.memory_space<vmem>>
        %dma_start3A_133 = arith.constant 0 : i32
        %dma_start3A_134 = arith.constant 0 : i32
        %dma_start3A_135 = tpu.memref_slice %arg4[%dma_start3A_133, %dma_start3A_134] : memref<10000x128xf32, #tpu.memory_space<hbm>> -> memref<10000x128xf32, #tpu.memory_space<hbm>>
        %dma_start3A_136 = tpu.memref_slice %arg13[%dma_start3A_129] : memref<2x!tpu.dma_semaphore, #tpu.memory_space<semaphore_mem>> -> memref<1x!tpu.dma_semaphore, #tpu.memory_space<semaphore_mem>>
        %dma_start3A_137 = tpu.memref_squeeze %dma_start3A_136 : memref<1x!tpu.dma_semaphore, #tpu.memory_space<semaphore_mem>> -> memref<!tpu.dma_semaphore, #tpu.memory_space<semaphore_mem>>
        tpu.enqueue_indirect_dma source(%dma_start3A_135 : memref<10000x128xf32, #tpu.memory_space<hbm>>) target(%arg10 : memref<128x128xf32, #tpu.memory_space<vmem>>) offsets(%dma_start3A_132 : memref<128xi32, #tpu.memory_space<vmem>>) semaphore(%dma_start3A_137 : memref<!tpu.dma_semaphore, #tpu.memory_space<semaphore_mem>>)
        %mul3A_138 = arith.constant 4 : i32
        %mul3A_139 = arith.muli %add3A_89, %mul3A_138 : i32
        %add3A_140 = arith.constant 2 : i32
        %add3A_141 = arith.addi %mul3A_139, %add3A_140 : i32
        %dma_wait3A_142 = arith.constant 2 : i32
        %dma_wait3A_143 = arith.constant 0 : i32
        %dma_wait3A_144 = arith.constant 0 : i32
        %dma_wait3A_145 = tpu.memref_slice %arg6[%dma_wait3A_142, %dma_wait3A_144] : memref<4x128xi32, #tpu.memory_space<vmem>> -> memref<1x128xi32, #tpu.memory_space<vmem>>
        %dma_wait3A_146 = tpu.memref_squeeze %dma_wait3A_145 : memref<1x128xi32, #tpu.memory_space<vmem>> -> memref<128xi32, #tpu.memory_space<vmem>>
        %dma_wait3A_147 = arith.constant 0 : i32
        %dma_wait3A_148 = arith.constant 0 : i32
        %dma_wait3A_149 = tpu.memref_slice %arg4[%dma_wait3A_147, %dma_wait3A_148] : memref<10000x128xf32, #tpu.memory_space<hbm>> -> memref<10000x128xf32, #tpu.memory_space<hbm>>
        %dma_wait3A_150 = tpu.memref_slice %arg13[%dma_wait3A_143] : memref<2x!tpu.dma_semaphore, #tpu.memory_space<semaphore_mem>> -> memref<1x!tpu.dma_semaphore, #tpu.memory_space<semaphore_mem>>
        %dma_wait3A_151 = tpu.memref_squeeze %dma_wait3A_150 : memref<1x!tpu.dma_semaphore, #tpu.memory_space<semaphore_mem>> -> memref<!tpu.dma_semaphore, #tpu.memory_space<semaphore_mem>>
        tpu.wait_indirect_dma semaphore(%dma_wait3A_151 : memref<!tpu.dma_semaphore, #tpu.memory_space<semaphore_mem>>) src(%dma_wait3A_149 : memref<10000x128xf32, #tpu.memory_space<hbm>>) dst(%arg9 : memref<128x128xf32, #tpu.memory_space<vmem>>)
        "tpu.region"() ({
          %run_scoped3A = tpu.sem_alloc : memref<!tpu.dma_semaphore, #tpu.memory_space<semaphore_mem>>
          %dma_start3A_287 = arith.constant 0 : i32
          %dma_start3A_288 = tpu.memref_slice %arg8[%add3A_141, %dma_start3A_287] : memref<120x128xi32, #tpu.memory_space<vmem>> -> memref<1x128xi32, #tpu.memory_space<vmem>>
          %dma_start3A_289 = tpu.memref_squeeze %dma_start3A_288 : memref<1x128xi32, #tpu.memory_space<vmem>> -> memref<128xi32, #tpu.memory_space<vmem>>
          %dma_start3A_290 = arith.constant 0 : i32
          %dma_start3A_291 = arith.constant 0 : i32
          %dma_start3A_292 = tpu.memref_slice %arg11[%dma_start3A_290, %dma_start3A_291] : memref<10112x128xf32, #tpu.memory_space<vmem_shared>> -> memref<10112x128xf32, #tpu.memory_space<vmem_shared>>
          tpu.enqueue_indirect_dma source(%arg9 : memref<128x128xf32, #tpu.memory_space<vmem>>) target(%dma_start3A_292 : memref<10112x128xf32, #tpu.memory_space<vmem_shared>>) offsets(%dma_start3A_289 : memref<128xi32, #tpu.memory_space<vmem>>) semaphore(%run_scoped3A : memref<!tpu.dma_semaphore, #tpu.memory_space<semaphore_mem>>) {add = true}
          %dma_wait3A_293 = arith.constant 0 : i32
          %dma_wait3A_294 = tpu.memref_slice %arg8[%add3A_141, %dma_wait3A_293] : memref<120x128xi32, #tpu.memory_space<vmem>> -> memref<1x128xi32, #tpu.memory_space<vmem>>
          %dma_wait3A_295 = tpu.memref_squeeze %dma_wait3A_294 : memref<1x128xi32, #tpu.memory_space<vmem>> -> memref<128xi32, #tpu.memory_space<vmem>>
          %dma_wait3A_296 = arith.constant 0 : i32
          %dma_wait3A_297 = arith.constant 0 : i32
          %dma_wait3A_298 = tpu.memref_slice %arg11[%dma_wait3A_296, %dma_wait3A_297] : memref<10112x128xf32, #tpu.memory_space<vmem_shared>> -> memref<10112x128xf32, #tpu.memory_space<vmem_shared>>
          tpu.wait_indirect_dma semaphore(%run_scoped3A : memref<!tpu.dma_semaphore, #tpu.memory_space<semaphore_mem>>) src(%arg9 : memref<128x128xf32, #tpu.memory_space<vmem>>) dst(%dma_wait3A_298 : memref<10112x128xf32, #tpu.memory_space<vmem_shared>>)
          tpu.yield
        }) : () -> ()
        %add3A_152 = arith.constant 1 : i32
        %add3A_153 = arith.addi %add3A_89, %add3A_152 : i32
        %lt3A = arith.constant 30 : i32
        %lt3A_154 = arith.cmpi slt, %add3A_153, %lt3A : i32
        %convert_element_type3A_155 = arith.extui %lt3A_154 : i1 to i32
        %cond3A_156 = arith.constant 0 : i32
        %cond3A_157 = arith.cmpi ne, %convert_element_type3A_155, %cond3A_156 : i32
        scf.if %cond3A_157 {
          %add3A_287 = arith.constant 1 : i32
          %add3A_288 = arith.addi %add3A_89, %add3A_287 : i32
          %mul3A_289 = arith.constant 4 : i32
          %mul3A_290 = arith.muli %add3A_288, %mul3A_289 : i32
          %add3A_291 = arith.addi %select_n3A, %mul3A_290 : i32
          %dma_wait3A_292 = arith.constant 1 : i32
          %dma_wait3A_293 = arith.constant 0 : i32
          %dma_wait3A_294 = tpu.memref_slice %arg2[%add3A_291, %dma_wait3A_293] : memref<2560x128xi32, #tpu.memory_space<hbm>> -> memref<4x128xi32, #tpu.memory_space<hbm>>
          %dma_wait3A_295 = tpu.memref_slice %arg12[%dma_wait3A_292] : memref<2x!tpu.dma_semaphore, #tpu.memory_space<semaphore_mem>> -> memref<1x!tpu.dma_semaphore, #tpu.memory_space<semaphore_mem>>
          %dma_wait3A_296 = tpu.memref_squeeze %dma_wait3A_295 : memref<1x!tpu.dma_semaphore, #tpu.memory_space<semaphore_mem>> -> memref<!tpu.dma_semaphore, #tpu.memory_space<semaphore_mem>>
          %dma_wait3A_297 = arith.constant 0 : i32
          %dma_wait3A_298 = tpu.memref_slice %arg2[%add3A_291, %dma_wait3A_297] : memref<2560x128xi32, #tpu.memory_space<hbm>> -> memref<4x128xi32, #tpu.memory_space<hbm>>
          tpu.wait_dma2 semaphore(%dma_wait3A_296 : memref<!tpu.dma_semaphore, #tpu.memory_space<semaphore_mem>>) src(%dma_wait3A_298 : memref<4x128xi32, #tpu.memory_space<hbm>>) dst(%arg7 : memref<4x128xi32, #tpu.memory_space<vmem>>)
          %dma_start3A_299 = arith.constant 0 : i32
          %dma_start3A_300 = arith.constant 0 : i32
          %dma_start3A_301 = arith.constant 0 : i32
          %dma_start3A_302 = tpu.memref_slice %arg7[%dma_start3A_299, %dma_start3A_301] : memref<4x128xi32, #tpu.memory_space<vmem>> -> memref<1x128xi32, #tpu.memory_space<vmem>>
          %dma_start3A_303 = tpu.memref_squeeze %dma_start3A_302 : memref<1x128xi32, #tpu.memory_space<vmem>> -> memref<128xi32, #tpu.memory_space<vmem>>
          %dma_start3A_304 = arith.constant 0 : i32
          %dma_start3A_305 = arith.constant 0 : i32
          %dma_start3A_306 = tpu.memref_slice %arg4[%dma_start3A_304, %dma_start3A_305] : memref<10000x128xf32, #tpu.memory_space<hbm>> -> memref<10000x128xf32, #tpu.memory_space<hbm>>
          %dma_start3A_307 = tpu.memref_slice %arg13[%dma_start3A_300] : memref<2x!tpu.dma_semaphore, #tpu.memory_space<semaphore_mem>> -> memref<1x!tpu.dma_semaphore, #tpu.memory_space<semaphore_mem>>
          %dma_start3A_308 = tpu.memref_squeeze %dma_start3A_307 : memref<1x!tpu.dma_semaphore, #tpu.memory_space<semaphore_mem>> -> memref<!tpu.dma_semaphore, #tpu.memory_space<semaphore_mem>>
          tpu.enqueue_indirect_dma source(%dma_start3A_306 : memref<10000x128xf32, #tpu.memory_space<hbm>>) target(%arg9 : memref<128x128xf32, #tpu.memory_space<vmem>>) offsets(%dma_start3A_303 : memref<128xi32, #tpu.memory_space<vmem>>) semaphore(%dma_start3A_308 : memref<!tpu.dma_semaphore, #tpu.memory_space<semaphore_mem>>)
        } else {
        }
        %mul3A_158 = arith.constant 4 : i32
        %mul3A_159 = arith.muli %add3A_89, %mul3A_158 : i32
        %add3A_160 = arith.constant 3 : i32
        %add3A_161 = arith.addi %mul3A_159, %add3A_160 : i32
        %dma_wait3A_162 = arith.constant 3 : i32
        %dma_wait3A_163 = arith.constant 1 : i32
        %dma_wait3A_164 = arith.constant 0 : i32
        %dma_wait3A_165 = tpu.memref_slice %arg6[%dma_wait3A_162, %dma_wait3A_164] : memref<4x128xi32, #tpu.memory_space<vmem>> -> memref<1x128xi32, #tpu.memory_space<vmem>>
        %dma_wait3A_166 = tpu.memref_squeeze %dma_wait3A_165 : memref<1x128xi32, #tpu.memory_space<vmem>> -> memref<128xi32, #tpu.memory_space<vmem>>
        %dma_wait3A_167 = arith.constant 0 : i32
        %dma_wait3A_168 = arith.constant 0 : i32
        %dma_wait3A_169 = tpu.memref_slice %arg4[%dma_wait3A_167, %dma_wait3A_168] : memref<10000x128xf32, #tpu.memory_space<hbm>> -> memref<10000x128xf32, #tpu.memory_space<hbm>>
        %dma_wait3A_170 = tpu.memref_slice %arg13[%dma_wait3A_163] : memref<2x!tpu.dma_semaphore, #tpu.memory_space<semaphore_mem>> -> memref<1x!tpu.dma_semaphore, #tpu.memory_space<semaphore_mem>>
        %dma_wait3A_171 = tpu.memref_squeeze %dma_wait3A_170 : memref<1x!tpu.dma_semaphore, #tpu.memory_space<semaphore_mem>> -> memref<!tpu.dma_semaphore, #tpu.memory_space<semaphore_mem>>
        tpu.wait_indirect_dma semaphore(%dma_wait3A_171 : memref<!tpu.dma_semaphore, #tpu.memory_space<semaphore_mem>>) src(%dma_wait3A_169 : memref<10000x128xf32, #tpu.memory_space<hbm>>) dst(%arg10 : memref<128x128xf32, #tpu.memory_space<vmem>>)
        "tpu.region"() ({
          %run_scoped3A = tpu.sem_alloc : memref<!tpu.dma_semaphore, #tpu.memory_space<semaphore_mem>>
          %dma_start3A_287 = arith.constant 0 : i32
          %dma_start3A_288 = tpu.memref_slice %arg8[%add3A_161, %dma_start3A_287] : memref<120x128xi32, #tpu.memory_space<vmem>> -> memref<1x128xi32, #tpu.memory_space<vmem>>
          %dma_start3A_289 = tpu.memref_squeeze %dma_start3A_288 : memref<1x128xi32, #tpu.memory_space<vmem>> -> memref<128xi32, #tpu.memory_space<vmem>>
          %dma_start3A_290 = arith.constant 0 : i32
          %dma_start3A_291 = arith.constant 0 : i32
          %dma_start3A_292 = tpu.memref_slice %arg11[%dma_start3A_290, %dma_start3A_291] : memref<10112x128xf32, #tpu.memory_space<vmem_shared>> -> memref<10112x128xf32, #tpu.memory_space<vmem_shared>>
          tpu.enqueue_indirect_dma source(%arg10 : memref<128x128xf32, #tpu.memory_space<vmem>>) target(%dma_start3A_292 : memref<10112x128xf32, #tpu.memory_space<vmem_shared>>) offsets(%dma_start3A_289 : memref<128xi32, #tpu.memory_space<vmem>>) semaphore(%run_scoped3A : memref<!tpu.dma_semaphore, #tpu.memory_space<semaphore_mem>>) {add = true}
          %dma_wait3A_293 = arith.constant 0 : i32
          %dma_wait3A_294 = tpu.memref_slice %arg8[%add3A_161, %dma_wait3A_293] : memref<120x128xi32, #tpu.memory_space<vmem>> -> memref<1x128xi32, #tpu.memory_space<vmem>>
          %dma_wait3A_295 = tpu.memref_squeeze %dma_wait3A_294 : memref<1x128xi32, #tpu.memory_space<vmem>> -> memref<128xi32, #tpu.memory_space<vmem>>
          %dma_wait3A_296 = arith.constant 0 : i32
          %dma_wait3A_297 = arith.constant 0 : i32
          %dma_wait3A_298 = tpu.memref_slice %arg11[%dma_wait3A_296, %dma_wait3A_297] : memref<10112x128xf32, #tpu.memory_space<vmem_shared>> -> memref<10112x128xf32, #tpu.memory_space<vmem_shared>>
          tpu.wait_indirect_dma semaphore(%run_scoped3A : memref<!tpu.dma_semaphore, #tpu.memory_space<semaphore_mem>>) src(%arg10 : memref<128x128xf32, #tpu.memory_space<vmem>>) dst(%dma_wait3A_298 : memref<10112x128xf32, #tpu.memory_space<vmem_shared>>)
          tpu.yield
        }) : () -> ()
        %add3A_172 = arith.constant 1 : i32
        %add3A_173 = arith.addi %add3A_89, %add3A_172 : i32
        %lt3A_174 = arith.constant 30 : i32
        %lt3A_175 = arith.cmpi slt, %add3A_173, %lt3A_174 : i32
        %convert_element_type3A_176 = arith.extui %lt3A_175 : i1 to i32
        %cond3A_177 = arith.constant 0 : i32
        %cond3A_178 = arith.cmpi ne, %convert_element_type3A_176, %cond3A_177 : i32
        scf.if %cond3A_178 {
          %dma_start3A_287 = arith.constant 1 : i32
          %dma_start3A_288 = arith.constant 1 : i32
          %dma_start3A_289 = arith.constant 0 : i32
          %dma_start3A_290 = tpu.memref_slice %arg7[%dma_start3A_287, %dma_start3A_289] : memref<4x128xi32, #tpu.memory_space<vmem>> -> memref<1x128xi32, #tpu.memory_space<vmem>>
          %dma_start3A_291 = tpu.memref_squeeze %dma_start3A_290 : memref<1x128xi32, #tpu.memory_space<vmem>> -> memref<128xi32, #tpu.memory_space<vmem>>
          %dma_start3A_292 = arith.constant 0 : i32
          %dma_start3A_293 = arith.constant 0 : i32
          %dma_start3A_294 = tpu.memref_slice %arg4[%dma_start3A_292, %dma_start3A_293] : memref<10000x128xf32, #tpu.memory_space<hbm>> -> memref<10000x128xf32, #tpu.memory_space<hbm>>
          %dma_start3A_295 = tpu.memref_slice %arg13[%dma_start3A_288] : memref<2x!tpu.dma_semaphore, #tpu.memory_space<semaphore_mem>> -> memref<1x!tpu.dma_semaphore, #tpu.memory_space<semaphore_mem>>
          %dma_start3A_296 = tpu.memref_squeeze %dma_start3A_295 : memref<1x!tpu.dma_semaphore, #tpu.memory_space<semaphore_mem>> -> memref<!tpu.dma_semaphore, #tpu.memory_space<semaphore_mem>>
          tpu.enqueue_indirect_dma source(%dma_start3A_294 : memref<10000x128xf32, #tpu.memory_space<hbm>>) target(%arg10 : memref<128x128xf32, #tpu.memory_space<vmem>>) offsets(%dma_start3A_291 : memref<128xi32, #tpu.memory_space<vmem>>) semaphore(%dma_start3A_296 : memref<!tpu.dma_semaphore, #tpu.memory_space<semaphore_mem>>)
        } else {
        }
        %add3A_179 = arith.constant 2 : i32
        %add3A_180 = arith.addi %add3A_89, %add3A_179 : i32
        %lt3A_181 = arith.constant 30 : i32
        %lt3A_182 = arith.cmpi slt, %add3A_180, %lt3A_181 : i32
        %convert_element_type3A_183 = arith.extui %lt3A_182 : i1 to i32
        %cond3A_184 = arith.constant 0 : i32
        %cond3A_185 = arith.cmpi ne, %convert_element_type3A_183, %cond3A_184 : i32
        scf.if %cond3A_185 {
          %add3A_287 = arith.constant 2 : i32
          %add3A_288 = arith.addi %add3A_89, %add3A_287 : i32
          %mul3A_289 = arith.constant 4 : i32
          %mul3A_290 = arith.muli %add3A_288, %mul3A_289 : i32
          %add3A_291 = arith.addi %select_n3A, %mul3A_290 : i32
          %dma_start3A_292 = arith.constant 0 : i32
          %dma_start3A_293 = arith.constant 0 : i32
          %dma_start3A_294 = tpu.memref_slice %arg2[%add3A_291, %dma_start3A_293] : memref<2560x128xi32, #tpu.memory_space<hbm>> -> memref<4x128xi32, #tpu.memory_space<hbm>>
          %dma_start3A_295 = tpu.memref_slice %arg12[%dma_start3A_292] : memref<2x!tpu.dma_semaphore, #tpu.memory_space<semaphore_mem>> -> memref<1x!tpu.dma_semaphore, #tpu.memory_space<semaphore_mem>>
          %dma_start3A_296 = tpu.memref_squeeze %dma_start3A_295 : memref<1x!tpu.dma_semaphore, #tpu.memory_space<semaphore_mem>> -> memref<!tpu.dma_semaphore, #tpu.memory_space<semaphore_mem>>
          %dma_start3A_297 = arith.constant 0 : i32
          %dma_start3A_298 = tpu.memref_slice %arg2[%add3A_291, %dma_start3A_297] : memref<2560x128xi32, #tpu.memory_space<hbm>> -> memref<4x128xi32, #tpu.memory_space<hbm>>
          tpu.enqueue_dma source(%dma_start3A_298 : memref<4x128xi32, #tpu.memory_space<hbm>>) target(%arg6 : memref<4x128xi32, #tpu.memory_space<vmem>>) target_semaphore(%dma_start3A_296 : memref<!tpu.dma_semaphore, #tpu.memory_space<semaphore_mem>>)
        } else {
        }
        %mul3A_186 = arith.constant 2 : i32
        %mul3A_187 = arith.muli %mul3A_186, %scan3A_85 : i32
        %add3A_188 = arith.constant 1 : i32
        %add3A_189 = arith.addi %mul3A_187, %add3A_188 : i32
        %mul3A_190 = arith.constant 4 : i32
        %mul3A_191 = arith.muli %add3A_189, %mul3A_190 : i32
        %add3A_192 = arith.constant 0 : i32
        %add3A_193 = arith.addi %mul3A_191, %add3A_192 : i32
        %dma_wait3A_194 = arith.constant 0 : i32
        %dma_wait3A_195 = arith.constant 0 : i32
        %dma_wait3A_196 = arith.constant 0 : i32
        %dma_wait3A_197 = tpu.memref_slice %arg7[%dma_wait3A_194, %dma_wait3A_196] : memref<4x128xi32, #tpu.memory_space<vmem>> -> memref<1x128xi32, #tpu.memory_space<vmem>>
        %dma_wait3A_198 = tpu.memref_squeeze %dma_wait3A_197 : memref<1x128xi32, #tpu.memory_space<vmem>> -> memref<128xi32, #tpu.memory_space<vmem>>
        %dma_wait3A_199 = arith.constant 0 : i32
        %dma_wait3A_200 = arith.constant 0 : i32
        %dma_wait3A_201 = tpu.memref_slice %arg4[%dma_wait3A_199, %dma_wait3A_200] : memref<10000x128xf32, #tpu.memory_space<hbm>> -> memref<10000x128xf32, #tpu.memory_space<hbm>>
        %dma_wait3A_202 = tpu.memref_slice %arg13[%dma_wait3A_195] : memref<2x!tpu.dma_semaphore, #tpu.memory_space<semaphore_mem>> -> memref<1x!tpu.dma_semaphore, #tpu.memory_space<semaphore_mem>>
        %dma_wait3A_203 = tpu.memref_squeeze %dma_wait3A_202 : memref<1x!tpu.dma_semaphore, #tpu.memory_space<semaphore_mem>> -> memref<!tpu.dma_semaphore, #tpu.memory_space<semaphore_mem>>
        tpu.wait_indirect_dma semaphore(%dma_wait3A_203 : memref<!tpu.dma_semaphore, #tpu.memory_space<semaphore_mem>>) src(%dma_wait3A_201 : memref<10000x128xf32, #tpu.memory_space<hbm>>) dst(%arg9 : memref<128x128xf32, #tpu.memory_space<vmem>>)
        "tpu.region"() ({
          %run_scoped3A = tpu.sem_alloc : memref<!tpu.dma_semaphore, #tpu.memory_space<semaphore_mem>>
          %dma_start3A_287 = arith.constant 0 : i32
          %dma_start3A_288 = tpu.memref_slice %arg8[%add3A_193, %dma_start3A_287] : memref<120x128xi32, #tpu.memory_space<vmem>> -> memref<1x128xi32, #tpu.memory_space<vmem>>
          %dma_start3A_289 = tpu.memref_squeeze %dma_start3A_288 : memref<1x128xi32, #tpu.memory_space<vmem>> -> memref<128xi32, #tpu.memory_space<vmem>>
          %dma_start3A_290 = arith.constant 0 : i32
          %dma_start3A_291 = arith.constant 0 : i32
          %dma_start3A_292 = tpu.memref_slice %arg11[%dma_start3A_290, %dma_start3A_291] : memref<10112x128xf32, #tpu.memory_space<vmem_shared>> -> memref<10112x128xf32, #tpu.memory_space<vmem_shared>>
          tpu.enqueue_indirect_dma source(%arg9 : memref<128x128xf32, #tpu.memory_space<vmem>>) target(%dma_start3A_292 : memref<10112x128xf32, #tpu.memory_space<vmem_shared>>) offsets(%dma_start3A_289 : memref<128xi32, #tpu.memory_space<vmem>>) semaphore(%run_scoped3A : memref<!tpu.dma_semaphore, #tpu.memory_space<semaphore_mem>>) {add = true}
          %dma_wait3A_293 = arith.constant 0 : i32
          %dma_wait3A_294 = tpu.memref_slice %arg8[%add3A_193, %dma_wait3A_293] : memref<120x128xi32, #tpu.memory_space<vmem>> -> memref<1x128xi32, #tpu.memory_space<vmem>>
          %dma_wait3A_295 = tpu.memref_squeeze %dma_wait3A_294 : memref<1x128xi32, #tpu.memory_space<vmem>> -> memref<128xi32, #tpu.memory_space<vmem>>
          %dma_wait3A_296 = arith.constant 0 : i32
          %dma_wait3A_297 = arith.constant 0 : i32
          %dma_wait3A_298 = tpu.memref_slice %arg11[%dma_wait3A_296, %dma_wait3A_297] : memref<10112x128xf32, #tpu.memory_space<vmem_shared>> -> memref<10112x128xf32, #tpu.memory_space<vmem_shared>>
          tpu.wait_indirect_dma semaphore(%run_scoped3A : memref<!tpu.dma_semaphore, #tpu.memory_space<semaphore_mem>>) src(%arg9 : memref<128x128xf32, #tpu.memory_space<vmem>>) dst(%dma_wait3A_298 : memref<10112x128xf32, #tpu.memory_space<vmem_shared>>)
          tpu.yield
        }) : () -> ()
        %dma_start3A_204 = arith.constant 2 : i32
        %dma_start3A_205 = arith.constant 0 : i32
        %dma_start3A_206 = arith.constant 0 : i32
        %dma_start3A_207 = tpu.memref_slice %arg7[%dma_start3A_204, %dma_start3A_206] : memref<4x128xi32, #tpu.memory_space<vmem>> -> memref<1x128xi32, #tpu.memory_space<vmem>>
        %dma_start3A_208 = tpu.memref_squeeze %dma_start3A_207 : memref<1x128xi32, #tpu.memory_space<vmem>> -> memref<128xi32, #tpu.memory_space<vmem>>
        %dma_start3A_209 = arith.constant 0 : i32
        %dma_start3A_210 = arith.constant 0 : i32
        %dma_start3A_211 = tpu.memref_slice %arg4[%dma_start3A_209, %dma_start3A_210] : memref<10000x128xf32, #tpu.memory_space<hbm>> -> memref<10000x128xf32, #tpu.memory_space<hbm>>
        %dma_start3A_212 = tpu.memref_slice %arg13[%dma_start3A_205] : memref<2x!tpu.dma_semaphore, #tpu.memory_space<semaphore_mem>> -> memref<1x!tpu.dma_semaphore, #tpu.memory_space<semaphore_mem>>
        %dma_start3A_213 = tpu.memref_squeeze %dma_start3A_212 : memref<1x!tpu.dma_semaphore, #tpu.memory_space<semaphore_mem>> -> memref<!tpu.dma_semaphore, #tpu.memory_space<semaphore_mem>>
        tpu.enqueue_indirect_dma source(%dma_start3A_211 : memref<10000x128xf32, #tpu.memory_space<hbm>>) target(%arg9 : memref<128x128xf32, #tpu.memory_space<vmem>>) offsets(%dma_start3A_208 : memref<128xi32, #tpu.memory_space<vmem>>) semaphore(%dma_start3A_213 : memref<!tpu.dma_semaphore, #tpu.memory_space<semaphore_mem>>)
        %mul3A_214 = arith.constant 4 : i32
        %mul3A_215 = arith.muli %add3A_189, %mul3A_214 : i32
        %add3A_216 = arith.constant 1 : i32
        %add3A_217 = arith.addi %mul3A_215, %add3A_216 : i32
        %dma_wait3A_218 = arith.constant 1 : i32
        %dma_wait3A_219 = arith.constant 1 : i32
        %dma_wait3A_220 = arith.constant 0 : i32
        %dma_wait3A_221 = tpu.memref_slice %arg7[%dma_wait3A_218, %dma_wait3A_220] : memref<4x128xi32, #tpu.memory_space<vmem>> -> memref<1x128xi32, #tpu.memory_space<vmem>>
        %dma_wait3A_222 = tpu.memref_squeeze %dma_wait3A_221 : memref<1x128xi32, #tpu.memory_space<vmem>> -> memref<128xi32, #tpu.memory_space<vmem>>
        %dma_wait3A_223 = arith.constant 0 : i32
        %dma_wait3A_224 = arith.constant 0 : i32
        %dma_wait3A_225 = tpu.memref_slice %arg4[%dma_wait3A_223, %dma_wait3A_224] : memref<10000x128xf32, #tpu.memory_space<hbm>> -> memref<10000x128xf32, #tpu.memory_space<hbm>>
        %dma_wait3A_226 = tpu.memref_slice %arg13[%dma_wait3A_219] : memref<2x!tpu.dma_semaphore, #tpu.memory_space<semaphore_mem>> -> memref<1x!tpu.dma_semaphore, #tpu.memory_space<semaphore_mem>>
        %dma_wait3A_227 = tpu.memref_squeeze %dma_wait3A_226 : memref<1x!tpu.dma_semaphore, #tpu.memory_space<semaphore_mem>> -> memref<!tpu.dma_semaphore, #tpu.memory_space<semaphore_mem>>
        tpu.wait_indirect_dma semaphore(%dma_wait3A_227 : memref<!tpu.dma_semaphore, #tpu.memory_space<semaphore_mem>>) src(%dma_wait3A_225 : memref<10000x128xf32, #tpu.memory_space<hbm>>) dst(%arg10 : memref<128x128xf32, #tpu.memory_space<vmem>>)
        "tpu.region"() ({
          %run_scoped3A = tpu.sem_alloc : memref<!tpu.dma_semaphore, #tpu.memory_space<semaphore_mem>>
          %dma_start3A_287 = arith.constant 0 : i32
          %dma_start3A_288 = tpu.memref_slice %arg8[%add3A_217, %dma_start3A_287] : memref<120x128xi32, #tpu.memory_space<vmem>> -> memref<1x128xi32, #tpu.memory_space<vmem>>
          %dma_start3A_289 = tpu.memref_squeeze %dma_start3A_288 : memref<1x128xi32, #tpu.memory_space<vmem>> -> memref<128xi32, #tpu.memory_space<vmem>>
          %dma_start3A_290 = arith.constant 0 : i32
          %dma_start3A_291 = arith.constant 0 : i32
          %dma_start3A_292 = tpu.memref_slice %arg11[%dma_start3A_290, %dma_start3A_291] : memref<10112x128xf32, #tpu.memory_space<vmem_shared>> -> memref<10112x128xf32, #tpu.memory_space<vmem_shared>>
          tpu.enqueue_indirect_dma source(%arg10 : memref<128x128xf32, #tpu.memory_space<vmem>>) target(%dma_start3A_292 : memref<10112x128xf32, #tpu.memory_space<vmem_shared>>) offsets(%dma_start3A_289 : memref<128xi32, #tpu.memory_space<vmem>>) semaphore(%run_scoped3A : memref<!tpu.dma_semaphore, #tpu.memory_space<semaphore_mem>>) {add = true}
          %dma_wait3A_293 = arith.constant 0 : i32
          %dma_wait3A_294 = tpu.memref_slice %arg8[%add3A_217, %dma_wait3A_293] : memref<120x128xi32, #tpu.memory_space<vmem>> -> memref<1x128xi32, #tpu.memory_space<vmem>>
          %dma_wait3A_295 = tpu.memref_squeeze %dma_wait3A_294 : memref<1x128xi32, #tpu.memory_space<vmem>> -> memref<128xi32, #tpu.memory_space<vmem>>
          %dma_wait3A_296 = arith.constant 0 : i32
          %dma_wait3A_297 = arith.constant 0 : i32
          %dma_wait3A_298 = tpu.memref_slice %arg11[%dma_wait3A_296, %dma_wait3A_297] : memref<10112x128xf32, #tpu.memory_space<vmem_shared>> -> memref<10112x128xf32, #tpu.memory_space<vmem_shared>>
          tpu.wait_indirect_dma semaphore(%run_scoped3A : memref<!tpu.dma_semaphore, #tpu.memory_space<semaphore_mem>>) src(%arg10 : memref<128x128xf32, #tpu.memory_space<vmem>>) dst(%dma_wait3A_298 : memref<10112x128xf32, #tpu.memory_space<vmem_shared>>)
          tpu.yield
        }) : () -> ()
        %dma_start3A_228 = arith.constant 3 : i32
        %dma_start3A_229 = arith.constant 1 : i32
        %dma_start3A_230 = arith.constant 0 : i32
        %dma_start3A_231 = tpu.memref_slice %arg7[%dma_start3A_228, %dma_start3A_230] : memref<4x128xi32, #tpu.memory_space<vmem>> -> memref<1x128xi32, #tpu.memory_space<vmem>>
        %dma_start3A_232 = tpu.memref_squeeze %dma_start3A_231 : memref<1x128xi32, #tpu.memory_space<vmem>> -> memref<128xi32, #tpu.memory_space<vmem>>
        %dma_start3A_233 = arith.constant 0 : i32
        %dma_start3A_234 = arith.constant 0 : i32
        %dma_start3A_235 = tpu.memref_slice %arg4[%dma_start3A_233, %dma_start3A_234] : memref<10000x128xf32, #tpu.memory_space<hbm>> -> memref<10000x128xf32, #tpu.memory_space<hbm>>
        %dma_start3A_236 = tpu.memref_slice %arg13[%dma_start3A_229] : memref<2x!tpu.dma_semaphore, #tpu.memory_space<semaphore_mem>> -> memref<1x!tpu.dma_semaphore, #tpu.memory_space<semaphore_mem>>
        %dma_start3A_237 = tpu.memref_squeeze %dma_start3A_236 : memref<1x!tpu.dma_semaphore, #tpu.memory_space<semaphore_mem>> -> memref<!tpu.dma_semaphore, #tpu.memory_space<semaphore_mem>>
        tpu.enqueue_indirect_dma source(%dma_start3A_235 : memref<10000x128xf32, #tpu.memory_space<hbm>>) target(%arg10 : memref<128x128xf32, #tpu.memory_space<vmem>>) offsets(%dma_start3A_232 : memref<128xi32, #tpu.memory_space<vmem>>) semaphore(%dma_start3A_237 : memref<!tpu.dma_semaphore, #tpu.memory_space<semaphore_mem>>)
        %mul3A_238 = arith.constant 4 : i32
        %mul3A_239 = arith.muli %add3A_189, %mul3A_238 : i32
        %add3A_240 = arith.constant 2 : i32
        %add3A_241 = arith.addi %mul3A_239, %add3A_240 : i32
        %dma_wait3A_242 = arith.constant 2 : i32
        %dma_wait3A_243 = arith.constant 0 : i32
        %dma_wait3A_244 = arith.constant 0 : i32
        %dma_wait3A_245 = tpu.memref_slice %arg7[%dma_wait3A_242, %dma_wait3A_244] : memref<4x128xi32, #tpu.memory_space<vmem>> -> memref<1x128xi32, #tpu.memory_space<vmem>>
        %dma_wait3A_246 = tpu.memref_squeeze %dma_wait3A_245 : memref<1x128xi32, #tpu.memory_space<vmem>> -> memref<128xi32, #tpu.memory_space<vmem>>
        %dma_wait3A_247 = arith.constant 0 : i32
        %dma_wait3A_248 = arith.constant 0 : i32
        %dma_wait3A_249 = tpu.memref_slice %arg4[%dma_wait3A_247, %dma_wait3A_248] : memref<10000x128xf32, #tpu.memory_space<hbm>> -> memref<10000x128xf32, #tpu.memory_space<hbm>>
        %dma_wait3A_250 = tpu.memref_slice %arg13[%dma_wait3A_243] : memref<2x!tpu.dma_semaphore, #tpu.memory_space<semaphore_mem>> -> memref<1x!tpu.dma_semaphore, #tpu.memory_space<semaphore_mem>>
        %dma_wait3A_251 = tpu.memref_squeeze %dma_wait3A_250 : memref<1x!tpu.dma_semaphore, #tpu.memory_space<semaphore_mem>> -> memref<!tpu.dma_semaphore, #tpu.memory_space<semaphore_mem>>
        tpu.wait_indirect_dma semaphore(%dma_wait3A_251 : memref<!tpu.dma_semaphore, #tpu.memory_space<semaphore_mem>>) src(%dma_wait3A_249 : memref<10000x128xf32, #tpu.memory_space<hbm>>) dst(%arg9 : memref<128x128xf32, #tpu.memory_space<vmem>>)
        "tpu.region"() ({
          %run_scoped3A = tpu.sem_alloc : memref<!tpu.dma_semaphore, #tpu.memory_space<semaphore_mem>>
          %dma_start3A_287 = arith.constant 0 : i32
          %dma_start3A_288 = tpu.memref_slice %arg8[%add3A_241, %dma_start3A_287] : memref<120x128xi32, #tpu.memory_space<vmem>> -> memref<1x128xi32, #tpu.memory_space<vmem>>
          %dma_start3A_289 = tpu.memref_squeeze %dma_start3A_288 : memref<1x128xi32, #tpu.memory_space<vmem>> -> memref<128xi32, #tpu.memory_space<vmem>>
          %dma_start3A_290 = arith.constant 0 : i32
          %dma_start3A_291 = arith.constant 0 : i32
          %dma_start3A_292 = tpu.memref_slice %arg11[%dma_start3A_290, %dma_start3A_291] : memref<10112x128xf32, #tpu.memory_space<vmem_shared>> -> memref<10112x128xf32, #tpu.memory_space<vmem_shared>>
          tpu.enqueue_indirect_dma source(%arg9 : memref<128x128xf32, #tpu.memory_space<vmem>>) target(%dma_start3A_292 : memref<10112x128xf32, #tpu.memory_space<vmem_shared>>) offsets(%dma_start3A_289 : memref<128xi32, #tpu.memory_space<vmem>>) semaphore(%run_scoped3A : memref<!tpu.dma_semaphore, #tpu.memory_space<semaphore_mem>>) {add = true}
          %dma_wait3A_293 = arith.constant 0 : i32
          %dma_wait3A_294 = tpu.memref_slice %arg8[%add3A_241, %dma_wait3A_293] : memref<120x128xi32, #tpu.memory_space<vmem>> -> memref<1x128xi32, #tpu.memory_space<vmem>>
          %dma_wait3A_295 = tpu.memref_squeeze %dma_wait3A_294 : memref<1x128xi32, #tpu.memory_space<vmem>> -> memref<128xi32, #tpu.memory_space<vmem>>
          %dma_wait3A_296 = arith.constant 0 : i32
          %dma_wait3A_297 = arith.constant 0 : i32
          %dma_wait3A_298 = tpu.memref_slice %arg11[%dma_wait3A_296, %dma_wait3A_297] : memref<10112x128xf32, #tpu.memory_space<vmem_shared>> -> memref<10112x128xf32, #tpu.memory_space<vmem_shared>>
          tpu.wait_indirect_dma semaphore(%run_scoped3A : memref<!tpu.dma_semaphore, #tpu.memory_space<semaphore_mem>>) src(%arg9 : memref<128x128xf32, #tpu.memory_space<vmem>>) dst(%dma_wait3A_298 : memref<10112x128xf32, #tpu.memory_space<vmem_shared>>)
          tpu.yield
        }) : () -> ()
        %add3A_252 = arith.constant 1 : i32
        %add3A_253 = arith.addi %add3A_189, %add3A_252 : i32
        %lt3A_254 = arith.constant 30 : i32
        %lt3A_255 = arith.cmpi slt, %add3A_253, %lt3A_254 : i32
        %convert_element_type3A_256 = arith.extui %lt3A_255 : i1 to i32
        %cond3A_257 = arith.constant 0 : i32
        %cond3A_258 = arith.cmpi ne, %convert_element_type3A_256, %cond3A_257 : i32
        scf.if %cond3A_258 {
          %add3A_287 = arith.constant 1 : i32
          %add3A_288 = arith.addi %add3A_189, %add3A_287 : i32
          %mul3A_289 = arith.constant 4 : i32
          %mul3A_290 = arith.muli %add3A_288, %mul3A_289 : i32
          %add3A_291 = arith.addi %select_n3A, %mul3A_290 : i32
          %dma_wait3A_292 = arith.constant 0 : i32
          %dma_wait3A_293 = arith.constant 0 : i32
          %dma_wait3A_294 = tpu.memref_slice %arg2[%add3A_291, %dma_wait3A_293] : memref<2560x128xi32, #tpu.memory_space<hbm>> -> memref<4x128xi32, #tpu.memory_space<hbm>>
          %dma_wait3A_295 = tpu.memref_slice %arg12[%dma_wait3A_292] : memref<2x!tpu.dma_semaphore, #tpu.memory_space<semaphore_mem>> -> memref<1x!tpu.dma_semaphore, #tpu.memory_space<semaphore_mem>>
          %dma_wait3A_296 = tpu.memref_squeeze %dma_wait3A_295 : memref<1x!tpu.dma_semaphore, #tpu.memory_space<semaphore_mem>> -> memref<!tpu.dma_semaphore, #tpu.memory_space<semaphore_mem>>
          %dma_wait3A_297 = arith.constant 0 : i32
          %dma_wait3A_298 = tpu.memref_slice %arg2[%add3A_291, %dma_wait3A_297] : memref<2560x128xi32, #tpu.memory_space<hbm>> -> memref<4x128xi32, #tpu.memory_space<hbm>>
          tpu.wait_dma2 semaphore(%dma_wait3A_296 : memref<!tpu.dma_semaphore, #tpu.memory_space<semaphore_mem>>) src(%dma_wait3A_298 : memref<4x128xi32, #tpu.memory_space<hbm>>) dst(%arg6 : memref<4x128xi32, #tpu.memory_space<vmem>>)
          %dma_start3A_299 = arith.constant 0 : i32
          %dma_start3A_300 = arith.constant 0 : i32
          %dma_start3A_301 = arith.constant 0 : i32
          %dma_start3A_302 = tpu.memref_slice %arg6[%dma_start3A_299, %dma_start3A_301] : memref<4x128xi32, #tpu.memory_space<vmem>> -> memref<1x128xi32, #tpu.memory_space<vmem>>
          %dma_start3A_303 = tpu.memref_squeeze %dma_start3A_302 : memref<1x128xi32, #tpu.memory_space<vmem>> -> memref<128xi32, #tpu.memory_space<vmem>>
          %dma_start3A_304 = arith.constant 0 : i32
          %dma_start3A_305 = arith.constant 0 : i32
          %dma_start3A_306 = tpu.memref_slice %arg4[%dma_start3A_304, %dma_start3A_305] : memref<10000x128xf32, #tpu.memory_space<hbm>> -> memref<10000x128xf32, #tpu.memory_space<hbm>>
          %dma_start3A_307 = tpu.memref_slice %arg13[%dma_start3A_300] : memref<2x!tpu.dma_semaphore, #tpu.memory_space<semaphore_mem>> -> memref<1x!tpu.dma_semaphore, #tpu.memory_space<semaphore_mem>>
          %dma_start3A_308 = tpu.memref_squeeze %dma_start3A_307 : memref<1x!tpu.dma_semaphore, #tpu.memory_space<semaphore_mem>> -> memref<!tpu.dma_semaphore, #tpu.memory_space<semaphore_mem>>
          tpu.enqueue_indirect_dma source(%dma_start3A_306 : memref<10000x128xf32, #tpu.memory_space<hbm>>) target(%arg9 : memref<128x128xf32, #tpu.memory_space<vmem>>) offsets(%dma_start3A_303 : memref<128xi32, #tpu.memory_space<vmem>>) semaphore(%dma_start3A_308 : memref<!tpu.dma_semaphore, #tpu.memory_space<semaphore_mem>>)
        } else {
        }
        %mul3A_259 = arith.constant 4 : i32
        %mul3A_260 = arith.muli %add3A_189, %mul3A_259 : i32
        %add3A_261 = arith.constant 3 : i32
        %add3A_262 = arith.addi %mul3A_260, %add3A_261 : i32
        %dma_wait3A_263 = arith.constant 3 : i32
        %dma_wait3A_264 = arith.constant 1 : i32
        %dma_wait3A_265 = arith.constant 0 : i32
        %dma_wait3A_266 = tpu.memref_slice %arg7[%dma_wait3A_263, %dma_wait3A_265] : memref<4x128xi32, #tpu.memory_space<vmem>> -> memref<1x128xi32, #tpu.memory_space<vmem>>
        %dma_wait3A_267 = tpu.memref_squeeze %dma_wait3A_266 : memref<1x128xi32, #tpu.memory_space<vmem>> -> memref<128xi32, #tpu.memory_space<vmem>>
        %dma_wait3A_268 = arith.constant 0 : i32
        %dma_wait3A_269 = arith.constant 0 : i32
        %dma_wait3A_270 = tpu.memref_slice %arg4[%dma_wait3A_268, %dma_wait3A_269] : memref<10000x128xf32, #tpu.memory_space<hbm>> -> memref<10000x128xf32, #tpu.memory_space<hbm>>
        %dma_wait3A_271 = tpu.memref_slice %arg13[%dma_wait3A_264] : memref<2x!tpu.dma_semaphore, #tpu.memory_space<semaphore_mem>> -> memref<1x!tpu.dma_semaphore, #tpu.memory_space<semaphore_mem>>
        %dma_wait3A_272 = tpu.memref_squeeze %dma_wait3A_271 : memref<1x!tpu.dma_semaphore, #tpu.memory_space<semaphore_mem>> -> memref<!tpu.dma_semaphore, #tpu.memory_space<semaphore_mem>>
        tpu.wait_indirect_dma semaphore(%dma_wait3A_272 : memref<!tpu.dma_semaphore, #tpu.memory_space<semaphore_mem>>) src(%dma_wait3A_270 : memref<10000x128xf32, #tpu.memory_space<hbm>>) dst(%arg10 : memref<128x128xf32, #tpu.memory_space<vmem>>)
        "tpu.region"() ({
          %run_scoped3A = tpu.sem_alloc : memref<!tpu.dma_semaphore, #tpu.memory_space<semaphore_mem>>
          %dma_start3A_287 = arith.constant 0 : i32
          %dma_start3A_288 = tpu.memref_slice %arg8[%add3A_262, %dma_start3A_287] : memref<120x128xi32, #tpu.memory_space<vmem>> -> memref<1x128xi32, #tpu.memory_space<vmem>>
          %dma_start3A_289 = tpu.memref_squeeze %dma_start3A_288 : memref<1x128xi32, #tpu.memory_space<vmem>> -> memref<128xi32, #tpu.memory_space<vmem>>
          %dma_start3A_290 = arith.constant 0 : i32
          %dma_start3A_291 = arith.constant 0 : i32
          %dma_start3A_292 = tpu.memref_slice %arg11[%dma_start3A_290, %dma_start3A_291] : memref<10112x128xf32, #tpu.memory_space<vmem_shared>> -> memref<10112x128xf32, #tpu.memory_space<vmem_shared>>
          tpu.enqueue_indirect_dma source(%arg10 : memref<128x128xf32, #tpu.memory_space<vmem>>) target(%dma_start3A_292 : memref<10112x128xf32, #tpu.memory_space<vmem_shared>>) offsets(%dma_start3A_289 : memref<128xi32, #tpu.memory_space<vmem>>) semaphore(%run_scoped3A : memref<!tpu.dma_semaphore, #tpu.memory_space<semaphore_mem>>) {add = true}
          %dma_wait3A_293 = arith.constant 0 : i32
          %dma_wait3A_294 = tpu.memref_slice %arg8[%add3A_262, %dma_wait3A_293] : memref<120x128xi32, #tpu.memory_space<vmem>> -> memref<1x128xi32, #tpu.memory_space<vmem>>
          %dma_wait3A_295 = tpu.memref_squeeze %dma_wait3A_294 : memref<1x128xi32, #tpu.memory_space<vmem>> -> memref<128xi32, #tpu.memory_space<vmem>>
          %dma_wait3A_296 = arith.constant 0 : i32
          %dma_wait3A_297 = arith.constant 0 : i32
          %dma_wait3A_298 = tpu.memref_slice %arg11[%dma_wait3A_296, %dma_wait3A_297] : memref<10112x128xf32, #tpu.memory_space<vmem_shared>> -> memref<10112x128xf32, #tpu.memory_space<vmem_shared>>
          tpu.wait_indirect_dma semaphore(%run_scoped3A : memref<!tpu.dma_semaphore, #tpu.memory_space<semaphore_mem>>) src(%arg10 : memref<128x128xf32, #tpu.memory_space<vmem>>) dst(%dma_wait3A_298 : memref<10112x128xf32, #tpu.memory_space<vmem_shared>>)
          tpu.yield
        }) : () -> ()
        %add3A_273 = arith.constant 1 : i32
        %add3A_274 = arith.addi %add3A_189, %add3A_273 : i32
        %lt3A_275 = arith.constant 30 : i32
        %lt3A_276 = arith.cmpi slt, %add3A_274, %lt3A_275 : i32
        %convert_element_type3A_277 = arith.extui %lt3A_276 : i1 to i32
        %cond3A_278 = arith.constant 0 : i32
        %cond3A_279 = arith.cmpi ne, %convert_element_type3A_277, %cond3A_278 : i32
        scf.if %cond3A_279 {
          %dma_start3A_287 = arith.constant 1 : i32
          %dma_start3A_288 = arith.constant 1 : i32
          %dma_start3A_289 = arith.constant 0 : i32
          %dma_start3A_290 = tpu.memref_slice %arg6[%dma_start3A_287, %dma_start3A_289] : memref<4x128xi32, #tpu.memory_space<vmem>> -> memref<1x128xi32, #tpu.memory_space<vmem>>
          %dma_start3A_291 = tpu.memref_squeeze %dma_start3A_290 : memref<1x128xi32, #tpu.memory_space<vmem>> -> memref<128xi32, #tpu.memory_space<vmem>>
          %dma_start3A_292 = arith.constant 0 : i32
          %dma_start3A_293 = arith.constant 0 : i32
          %dma_start3A_294 = tpu.memref_slice %arg4[%dma_start3A_292, %dma_start3A_293] : memref<10000x128xf32, #tpu.memory_space<hbm>> -> memref<10000x128xf32, #tpu.memory_space<hbm>>
          %dma_start3A_295 = tpu.memref_slice %arg13[%dma_start3A_288] : memref<2x!tpu.dma_semaphore, #tpu.memory_space<semaphore_mem>> -> memref<1x!tpu.dma_semaphore, #tpu.memory_space<semaphore_mem>>
          %dma_start3A_296 = tpu.memref_squeeze %dma_start3A_295 : memref<1x!tpu.dma_semaphore, #tpu.memory_space<semaphore_mem>> -> memref<!tpu.dma_semaphore, #tpu.memory_space<semaphore_mem>>
          tpu.enqueue_indirect_dma source(%dma_start3A_294 : memref<10000x128xf32, #tpu.memory_space<hbm>>) target(%arg10 : memref<128x128xf32, #tpu.memory_space<vmem>>) offsets(%dma_start3A_291 : memref<128xi32, #tpu.memory_space<vmem>>) semaphore(%dma_start3A_296 : memref<!tpu.dma_semaphore, #tpu.memory_space<semaphore_mem>>)
        } else {
        }
        %add3A_280 = arith.constant 2 : i32
        %add3A_281 = arith.addi %add3A_189, %add3A_280 : i32
        %lt3A_282 = arith.constant 30 : i32
        %lt3A_283 = arith.cmpi slt, %add3A_281, %lt3A_282 : i32
        %convert_element_type3A_284 = arith.extui %lt3A_283 : i1 to i32
        %cond3A_285 = arith.constant 0 : i32
        %cond3A_286 = arith.cmpi ne, %convert_element_type3A_284, %cond3A_285 : i32
        scf.if %cond3A_286 {
          %add3A_287 = arith.constant 2 : i32
          %add3A_288 = arith.addi %add3A_189, %add3A_287 : i32
          %mul3A_289 = arith.constant 4 : i32
          %mul3A_290 = arith.muli %add3A_288, %mul3A_289 : i32
          %add3A_291 = arith.addi %select_n3A, %mul3A_290 : i32
          %dma_start3A_292 = arith.constant 1 : i32
          %dma_start3A_293 = arith.constant 0 : i32
          %dma_start3A_294 = tpu.memref_slice %arg2[%add3A_291, %dma_start3A_293] : memref<2560x128xi32, #tpu.memory_space<hbm>> -> memref<4x128xi32, #tpu.memory_space<hbm>>
          %dma_start3A_295 = tpu.memref_slice %arg12[%dma_start3A_292] : memref<2x!tpu.dma_semaphore, #tpu.memory_space<semaphore_mem>> -> memref<1x!tpu.dma_semaphore, #tpu.memory_space<semaphore_mem>>
          %dma_start3A_296 = tpu.memref_squeeze %dma_start3A_295 : memref<1x!tpu.dma_semaphore, #tpu.memory_space<semaphore_mem>> -> memref<!tpu.dma_semaphore, #tpu.memory_space<semaphore_mem>>
          %dma_start3A_297 = arith.constant 0 : i32
          %dma_start3A_298 = tpu.memref_slice %arg2[%add3A_291, %dma_start3A_297] : memref<2560x128xi32, #tpu.memory_space<hbm>> -> memref<4x128xi32, #tpu.memory_space<hbm>>
          tpu.enqueue_dma source(%dma_start3A_298 : memref<4x128xi32, #tpu.memory_space<hbm>>) target(%arg7 : memref<4x128xi32, #tpu.memory_space<vmem>>) target_semaphore(%dma_start3A_296 : memref<!tpu.dma_semaphore, #tpu.memory_space<semaphore_mem>>)
        } else {
        }
      }
      %scan3A_84 = arith.constant 15 : i32
    } else {
    }
    %eq3A_32 = arith.constant 1 : i32
    %eq3A_33 = arith.cmpi eq, %arg0, %eq3A_32 : i32
    %convert_element_type3A_34 = arith.extui %eq3A_33 : i1 to i32
    %cond3A_35 = arith.constant 0 : i32
    %cond3A_36 = arith.cmpi ne, %convert_element_type3A_34, %cond3A_35 : i32
    scf.if %cond3A_36 {
      "tpu.region"() ({
        %run_scoped3A = tpu.sem_alloc : memref<!tpu.dma_semaphore, #tpu.memory_space<semaphore_mem>>
        %dma_start3A_85 = arith.constant 0 : i32
        %dma_start3A_86 = arith.constant 0 : i32
        %dma_start3A_87 = tpu.memref_slice %arg8[%dma_start3A_85, %dma_start3A_86] : memref<120x128xi32, #tpu.memory_space<vmem>> -> memref<40x128xi32, #tpu.memory_space<vmem>>
        %dma_start3A_88 = arith.constant 0 : i32
        %dma_start3A_89 = tpu.memref_slice %arg3[%select_n3A, %dma_start3A_88] : memref<2560x128xi32, #tpu.memory_space<hbm>> -> memref<40x128xi32, #tpu.memory_space<hbm>>
        %dma_start3A_90 = arith.constant 0 : i32
        %dma_start3A_91 = arith.constant 0 : i32
        %dma_start3A_92 = tpu.memref_slice %arg8[%dma_start3A_90, %dma_start3A_91] : memref<120x128xi32, #tpu.memory_space<vmem>> -> memref<40x128xi32, #tpu.memory_space<vmem>>
        %dma_start3A_93 = arith.constant 0 : i32
        %dma_start3A_94 = tpu.memref_slice %arg3[%select_n3A, %dma_start3A_93] : memref<2560x128xi32, #tpu.memory_space<hbm>> -> memref<40x128xi32, #tpu.memory_space<hbm>>
        tpu.enqueue_dma source(%dma_start3A_94 : memref<40x128xi32, #tpu.memory_space<hbm>>) target(%dma_start3A_92 : memref<40x128xi32, #tpu.memory_space<vmem>>) target_semaphore(%run_scoped3A : memref<!tpu.dma_semaphore, #tpu.memory_space<semaphore_mem>>)
        %dma_wait3A_95 = arith.constant 0 : i32
        %dma_wait3A_96 = arith.constant 0 : i32
        %dma_wait3A_97 = tpu.memref_slice %arg8[%dma_wait3A_95, %dma_wait3A_96] : memref<120x128xi32, #tpu.memory_space<vmem>> -> memref<40x128xi32, #tpu.memory_space<vmem>>
        %dma_wait3A_98 = arith.constant 0 : i32
        %dma_wait3A_99 = tpu.memref_slice %arg3[%select_n3A, %dma_wait3A_98] : memref<2560x128xi32, #tpu.memory_space<hbm>> -> memref<40x128xi32, #tpu.memory_space<hbm>>
        %dma_wait3A_100 = arith.constant 0 : i32
        %dma_wait3A_101 = arith.constant 0 : i32
        %dma_wait3A_102 = tpu.memref_slice %arg8[%dma_wait3A_100, %dma_wait3A_101] : memref<120x128xi32, #tpu.memory_space<vmem>> -> memref<40x128xi32, #tpu.memory_space<vmem>>
        %dma_wait3A_103 = arith.constant 0 : i32
        %dma_wait3A_104 = tpu.memref_slice %arg3[%select_n3A, %dma_wait3A_103] : memref<2560x128xi32, #tpu.memory_space<hbm>> -> memref<40x128xi32, #tpu.memory_space<hbm>>
        tpu.wait_dma2 semaphore(%run_scoped3A : memref<!tpu.dma_semaphore, #tpu.memory_space<semaphore_mem>>) src(%dma_wait3A_104 : memref<40x128xi32, #tpu.memory_space<hbm>>) dst(%dma_wait3A_102 : memref<40x128xi32, #tpu.memory_space<vmem>>)
        tpu.yield
      }) : () -> ()
      %add3A_42 = arith.constant 4 : i32
      %add3A_43 = arith.addi %select_n3A, %add3A_42 : i32
      %dma_start3A_44 = arith.constant 1 : i32
      %dma_start3A_45 = arith.constant 0 : i32
      %dma_start3A_46 = tpu.memref_slice %arg2[%add3A_43, %dma_start3A_45] : memref<2560x128xi32, #tpu.memory_space<hbm>> -> memref<4x128xi32, #tpu.memory_space<hbm>>
      %dma_start3A_47 = tpu.memref_slice %arg12[%dma_start3A_44] : memref<2x!tpu.dma_semaphore, #tpu.memory_space<semaphore_mem>> -> memref<1x!tpu.dma_semaphore, #tpu.memory_space<semaphore_mem>>
      %dma_start3A_48 = tpu.memref_squeeze %dma_start3A_47 : memref<1x!tpu.dma_semaphore, #tpu.memory_space<semaphore_mem>> -> memref<!tpu.dma_semaphore, #tpu.memory_space<semaphore_mem>>
      %dma_start3A_49 = arith.constant 0 : i32
      %dma_start3A_50 = tpu.memref_slice %arg2[%add3A_43, %dma_start3A_49] : memref<2560x128xi32, #tpu.memory_space<hbm>> -> memref<4x128xi32, #tpu.memory_space<hbm>>
      tpu.enqueue_dma source(%dma_start3A_50 : memref<4x128xi32, #tpu.memory_space<hbm>>) target(%arg7 : memref<4x128xi32, #tpu.memory_space<vmem>>) target_semaphore(%dma_start3A_48 : memref<!tpu.dma_semaphore, #tpu.memory_space<semaphore_mem>>)
      %add3A_51 = arith.constant 0 : i32
      %add3A_52 = arith.addi %select_n3A, %add3A_51 : i32
      %dma_wait3A = arith.constant 0 : i32
      %dma_wait3A_53 = arith.constant 0 : i32
      %dma_wait3A_54 = tpu.memref_slice %arg2[%add3A_52, %dma_wait3A_53] : memref<2560x128xi32, #tpu.memory_space<hbm>> -> memref<4x128xi32, #tpu.memory_space<hbm>>
      %dma_wait3A_55 = tpu.memref_slice %arg12[%dma_wait3A] : memref<2x!tpu.dma_semaphore, #tpu.memory_space<semaphore_mem>> -> memref<1x!tpu.dma_semaphore, #tpu.memory_space<semaphore_mem>>
      %dma_wait3A_56 = tpu.memref_squeeze %dma_wait3A_55 : memref<1x!tpu.dma_semaphore, #tpu.memory_space<semaphore_mem>> -> memref<!tpu.dma_semaphore, #tpu.memory_space<semaphore_mem>>
      %dma_wait3A_57 = arith.constant 0 : i32
      %dma_wait3A_58 = tpu.memref_slice %arg2[%add3A_52, %dma_wait3A_57] : memref<2560x128xi32, #tpu.memory_space<hbm>> -> memref<4x128xi32, #tpu.memory_space<hbm>>
      tpu.wait_dma2 semaphore(%dma_wait3A_56 : memref<!tpu.dma_semaphore, #tpu.memory_space<semaphore_mem>>) src(%dma_wait3A_58 : memref<4x128xi32, #tpu.memory_space<hbm>>) dst(%arg6 : memref<4x128xi32, #tpu.memory_space<vmem>>)
      %dma_start3A_59 = arith.constant 0 : i32
      %dma_start3A_60 = arith.constant 0 : i32
      %dma_start3A_61 = arith.constant 0 : i32
      %dma_start3A_62 = tpu.memref_slice %arg6[%dma_start3A_59, %dma_start3A_61] : memref<4x128xi32, #tpu.memory_space<vmem>> -> memref<1x128xi32, #tpu.memory_space<vmem>>
      %dma_start3A_63 = tpu.memref_squeeze %dma_start3A_62 : memref<1x128xi32, #tpu.memory_space<vmem>> -> memref<128xi32, #tpu.memory_space<vmem>>
      %dma_start3A_64 = arith.constant 0 : i32
      %dma_start3A_65 = arith.constant 0 : i32
      %dma_start3A_66 = tpu.memref_slice %arg4[%dma_start3A_64, %dma_start3A_65] : memref<10000x128xf32, #tpu.memory_space<hbm>> -> memref<10000x128xf32, #tpu.memory_space<hbm>>
      %dma_start3A_67 = tpu.memref_slice %arg13[%dma_start3A_60] : memref<2x!tpu.dma_semaphore, #tpu.memory_space<semaphore_mem>> -> memref<1x!tpu.dma_semaphore, #tpu.memory_space<semaphore_mem>>
      %dma_start3A_68 = tpu.memref_squeeze %dma_start3A_67 : memref<1x!tpu.dma_semaphore, #tpu.memory_space<semaphore_mem>> -> memref<!tpu.dma_semaphore, #tpu.memory_space<semaphore_mem>>
      tpu.enqueue_indirect_dma source(%dma_start3A_66 : memref<10000x128xf32, #tpu.memory_space<hbm>>) target(%arg9 : memref<128x128xf32, #tpu.memory_space<vmem>>) offsets(%dma_start3A_63 : memref<128xi32, #tpu.memory_space<vmem>>) semaphore(%dma_start3A_68 : memref<!tpu.dma_semaphore, #tpu.memory_space<semaphore_mem>>)
      %dma_start3A_69 = arith.constant 1 : i32
      %dma_start3A_70 = arith.constant 1 : i32
      %dma_start3A_71 = arith.constant 0 : i32
      %dma_start3A_72 = tpu.memref_slice %arg6[%dma_start3A_69, %dma_start3A_71] : memref<4x128xi32, #tpu.memory_space<vmem>> -> memref<1x128xi32, #tpu.memory_space<vmem>>
      %dma_start3A_73 = tpu.memref_squeeze %dma_start3A_72 : memref<1x128xi32, #tpu.memory_space<vmem>> -> memref<128xi32, #tpu.memory_space<vmem>>
      %dma_start3A_74 = arith.constant 0 : i32
      %dma_start3A_75 = arith.constant 0 : i32
      %dma_start3A_76 = tpu.memref_slice %arg4[%dma_start3A_74, %dma_start3A_75] : memref<10000x128xf32, #tpu.memory_space<hbm>> -> memref<10000x128xf32, #tpu.memory_space<hbm>>
      %dma_start3A_77 = tpu.memref_slice %arg13[%dma_start3A_70] : memref<2x!tpu.dma_semaphore, #tpu.memory_space<semaphore_mem>> -> memref<1x!tpu.dma_semaphore, #tpu.memory_space<semaphore_mem>>
      %dma_start3A_78 = tpu.memref_squeeze %dma_start3A_77 : memref<1x!tpu.dma_semaphore, #tpu.memory_space<semaphore_mem>> -> memref<!tpu.dma_semaphore, #tpu.memory_space<semaphore_mem>>
      tpu.enqueue_indirect_dma source(%dma_start3A_76 : memref<10000x128xf32, #tpu.memory_space<hbm>>) target(%arg10 : memref<128x128xf32, #tpu.memory_space<vmem>>) offsets(%dma_start3A_73 : memref<128xi32, #tpu.memory_space<vmem>>) semaphore(%dma_start3A_78 : memref<!tpu.dma_semaphore, #tpu.memory_space<semaphore_mem>>)
      %scan3A_79 = arith.constant 0 : i32
      %scan3A_80 = arith.constant 0 : i32
      %scan3A_81 = arith.constant 5 : i32
      %scan3A_82 = arith.addi %scan3A_80, %scan3A_81 : i32
      %scan3A_83 = arith.constant 1 : i32
      scf.for %scan3A_85 = %scan3A_80 to %scan3A_82 step %scan3A_83  : i32 {
        %mul3A_86 = arith.constant 2 : i32
        %mul3A_87 = arith.muli %mul3A_86, %scan3A_85 : i32
        %add3A_88 = arith.constant 0 : i32
        %add3A_89 = arith.addi %mul3A_87, %add3A_88 : i32
        %mul3A_90 = arith.constant 4 : i32
        %mul3A_91 = arith.muli %add3A_89, %mul3A_90 : i32
        %add3A_92 = arith.constant 0 : i32
        %add3A_93 = arith.addi %mul3A_91, %add3A_92 : i32
        %dma_wait3A_94 = arith.constant 0 : i32
        %dma_wait3A_95 = arith.constant 0 : i32
        %dma_wait3A_96 = arith.constant 0 : i32
        %dma_wait3A_97 = tpu.memref_slice %arg6[%dma_wait3A_94, %dma_wait3A_96] : memref<4x128xi32, #tpu.memory_space<vmem>> -> memref<1x128xi32, #tpu.memory_space<vmem>>
        %dma_wait3A_98 = tpu.memref_squeeze %dma_wait3A_97 : memref<1x128xi32, #tpu.memory_space<vmem>> -> memref<128xi32, #tpu.memory_space<vmem>>
        %dma_wait3A_99 = arith.constant 0 : i32
        %dma_wait3A_100 = arith.constant 0 : i32
        %dma_wait3A_101 = tpu.memref_slice %arg4[%dma_wait3A_99, %dma_wait3A_100] : memref<10000x128xf32, #tpu.memory_space<hbm>> -> memref<10000x128xf32, #tpu.memory_space<hbm>>
        %dma_wait3A_102 = tpu.memref_slice %arg13[%dma_wait3A_95] : memref<2x!tpu.dma_semaphore, #tpu.memory_space<semaphore_mem>> -> memref<1x!tpu.dma_semaphore, #tpu.memory_space<semaphore_mem>>
        %dma_wait3A_103 = tpu.memref_squeeze %dma_wait3A_102 : memref<1x!tpu.dma_semaphore, #tpu.memory_space<semaphore_mem>> -> memref<!tpu.dma_semaphore, #tpu.memory_space<semaphore_mem>>
        tpu.wait_indirect_dma semaphore(%dma_wait3A_103 : memref<!tpu.dma_semaphore, #tpu.memory_space<semaphore_mem>>) src(%dma_wait3A_101 : memref<10000x128xf32, #tpu.memory_space<hbm>>) dst(%arg9 : memref<128x128xf32, #tpu.memory_space<vmem>>)
        "tpu.region"() ({
          %run_scoped3A = tpu.sem_alloc : memref<!tpu.dma_semaphore, #tpu.memory_space<semaphore_mem>>
          %dma_start3A_287 = arith.constant 0 : i32
          %dma_start3A_288 = tpu.memref_slice %arg8[%add3A_93, %dma_start3A_287] : memref<120x128xi32, #tpu.memory_space<vmem>> -> memref<1x128xi32, #tpu.memory_space<vmem>>
          %dma_start3A_289 = tpu.memref_squeeze %dma_start3A_288 : memref<1x128xi32, #tpu.memory_space<vmem>> -> memref<128xi32, #tpu.memory_space<vmem>>
          %dma_start3A_290 = arith.constant 0 : i32
          %dma_start3A_291 = arith.constant 0 : i32
          %dma_start3A_292 = tpu.memref_slice %arg11[%dma_start3A_290, %dma_start3A_291] : memref<10112x128xf32, #tpu.memory_space<vmem_shared>> -> memref<10112x128xf32, #tpu.memory_space<vmem_shared>>
          tpu.enqueue_indirect_dma source(%arg9 : memref<128x128xf32, #tpu.memory_space<vmem>>) target(%dma_start3A_292 : memref<10112x128xf32, #tpu.memory_space<vmem_shared>>) offsets(%dma_start3A_289 : memref<128xi32, #tpu.memory_space<vmem>>) semaphore(%run_scoped3A : memref<!tpu.dma_semaphore, #tpu.memory_space<semaphore_mem>>) {add = true}
          %dma_wait3A_293 = arith.constant 0 : i32
          %dma_wait3A_294 = tpu.memref_slice %arg8[%add3A_93, %dma_wait3A_293] : memref<120x128xi32, #tpu.memory_space<vmem>> -> memref<1x128xi32, #tpu.memory_space<vmem>>
          %dma_wait3A_295 = tpu.memref_squeeze %dma_wait3A_294 : memref<1x128xi32, #tpu.memory_space<vmem>> -> memref<128xi32, #tpu.memory_space<vmem>>
          %dma_wait3A_296 = arith.constant 0 : i32
          %dma_wait3A_297 = arith.constant 0 : i32
          %dma_wait3A_298 = tpu.memref_slice %arg11[%dma_wait3A_296, %dma_wait3A_297] : memref<10112x128xf32, #tpu.memory_space<vmem_shared>> -> memref<10112x128xf32, #tpu.memory_space<vmem_shared>>
          tpu.wait_indirect_dma semaphore(%run_scoped3A : memref<!tpu.dma_semaphore, #tpu.memory_space<semaphore_mem>>) src(%arg9 : memref<128x128xf32, #tpu.memory_space<vmem>>) dst(%dma_wait3A_298 : memref<10112x128xf32, #tpu.memory_space<vmem_shared>>)
          tpu.yield
        }) : () -> ()
        %dma_start3A_104 = arith.constant 2 : i32
        %dma_start3A_105 = arith.constant 0 : i32
        %dma_start3A_106 = arith.constant 0 : i32
        %dma_start3A_107 = tpu.memref_slice %arg6[%dma_start3A_104, %dma_start3A_106] : memref<4x128xi32, #tpu.memory_space<vmem>> -> memref<1x128xi32, #tpu.memory_space<vmem>>
        %dma_start3A_108 = tpu.memref_squeeze %dma_start3A_107 : memref<1x128xi32, #tpu.memory_space<vmem>> -> memref<128xi32, #tpu.memory_space<vmem>>
        %dma_start3A_109 = arith.constant 0 : i32
        %dma_start3A_110 = arith.constant 0 : i32
        %dma_start3A_111 = tpu.memref_slice %arg4[%dma_start3A_109, %dma_start3A_110] : memref<10000x128xf32, #tpu.memory_space<hbm>> -> memref<10000x128xf32, #tpu.memory_space<hbm>>
        %dma_start3A_112 = tpu.memref_slice %arg13[%dma_start3A_105] : memref<2x!tpu.dma_semaphore, #tpu.memory_space<semaphore_mem>> -> memref<1x!tpu.dma_semaphore, #tpu.memory_space<semaphore_mem>>
        %dma_start3A_113 = tpu.memref_squeeze %dma_start3A_112 : memref<1x!tpu.dma_semaphore, #tpu.memory_space<semaphore_mem>> -> memref<!tpu.dma_semaphore, #tpu.memory_space<semaphore_mem>>
        tpu.enqueue_indirect_dma source(%dma_start3A_111 : memref<10000x128xf32, #tpu.memory_space<hbm>>) target(%arg9 : memref<128x128xf32, #tpu.memory_space<vmem>>) offsets(%dma_start3A_108 : memref<128xi32, #tpu.memory_space<vmem>>) semaphore(%dma_start3A_113 : memref<!tpu.dma_semaphore, #tpu.memory_space<semaphore_mem>>)
        %mul3A_114 = arith.constant 4 : i32
        %mul3A_115 = arith.muli %add3A_89, %mul3A_114 : i32
        %add3A_116 = arith.constant 1 : i32
        %add3A_117 = arith.addi %mul3A_115, %add3A_116 : i32
        %dma_wait3A_118 = arith.constant 1 : i32
        %dma_wait3A_119 = arith.constant 1 : i32
        %dma_wait3A_120 = arith.constant 0 : i32
        %dma_wait3A_121 = tpu.memref_slice %arg6[%dma_wait3A_118, %dma_wait3A_120] : memref<4x128xi32, #tpu.memory_space<vmem>> -> memref<1x128xi32, #tpu.memory_space<vmem>>
        %dma_wait3A_122 = tpu.memref_squeeze %dma_wait3A_121 : memref<1x128xi32, #tpu.memory_space<vmem>> -> memref<128xi32, #tpu.memory_space<vmem>>
        %dma_wait3A_123 = arith.constant 0 : i32
        %dma_wait3A_124 = arith.constant 0 : i32
        %dma_wait3A_125 = tpu.memref_slice %arg4[%dma_wait3A_123, %dma_wait3A_124] : memref<10000x128xf32, #tpu.memory_space<hbm>> -> memref<10000x128xf32, #tpu.memory_space<hbm>>
        %dma_wait3A_126 = tpu.memref_slice %arg13[%dma_wait3A_119] : memref<2x!tpu.dma_semaphore, #tpu.memory_space<semaphore_mem>> -> memref<1x!tpu.dma_semaphore, #tpu.memory_space<semaphore_mem>>
        %dma_wait3A_127 = tpu.memref_squeeze %dma_wait3A_126 : memref<1x!tpu.dma_semaphore, #tpu.memory_space<semaphore_mem>> -> memref<!tpu.dma_semaphore, #tpu.memory_space<semaphore_mem>>
        tpu.wait_indirect_dma semaphore(%dma_wait3A_127 : memref<!tpu.dma_semaphore, #tpu.memory_space<semaphore_mem>>) src(%dma_wait3A_125 : memref<10000x128xf32, #tpu.memory_space<hbm>>) dst(%arg10 : memref<128x128xf32, #tpu.memory_space<vmem>>)
        "tpu.region"() ({
          %run_scoped3A = tpu.sem_alloc : memref<!tpu.dma_semaphore, #tpu.memory_space<semaphore_mem>>
          %dma_start3A_287 = arith.constant 0 : i32
          %dma_start3A_288 = tpu.memref_slice %arg8[%add3A_117, %dma_start3A_287] : memref<120x128xi32, #tpu.memory_space<vmem>> -> memref<1x128xi32, #tpu.memory_space<vmem>>
          %dma_start3A_289 = tpu.memref_squeeze %dma_start3A_288 : memref<1x128xi32, #tpu.memory_space<vmem>> -> memref<128xi32, #tpu.memory_space<vmem>>
          %dma_start3A_290 = arith.constant 0 : i32
          %dma_start3A_291 = arith.constant 0 : i32
          %dma_start3A_292 = tpu.memref_slice %arg11[%dma_start3A_290, %dma_start3A_291] : memref<10112x128xf32, #tpu.memory_space<vmem_shared>> -> memref<10112x128xf32, #tpu.memory_space<vmem_shared>>
          tpu.enqueue_indirect_dma source(%arg10 : memref<128x128xf32, #tpu.memory_space<vmem>>) target(%dma_start3A_292 : memref<10112x128xf32, #tpu.memory_space<vmem_shared>>) offsets(%dma_start3A_289 : memref<128xi32, #tpu.memory_space<vmem>>) semaphore(%run_scoped3A : memref<!tpu.dma_semaphore, #tpu.memory_space<semaphore_mem>>) {add = true}
          %dma_wait3A_293 = arith.constant 0 : i32
          %dma_wait3A_294 = tpu.memref_slice %arg8[%add3A_117, %dma_wait3A_293] : memref<120x128xi32, #tpu.memory_space<vmem>> -> memref<1x128xi32, #tpu.memory_space<vmem>>
          %dma_wait3A_295 = tpu.memref_squeeze %dma_wait3A_294 : memref<1x128xi32, #tpu.memory_space<vmem>> -> memref<128xi32, #tpu.memory_space<vmem>>
          %dma_wait3A_296 = arith.constant 0 : i32
          %dma_wait3A_297 = arith.constant 0 : i32
          %dma_wait3A_298 = tpu.memref_slice %arg11[%dma_wait3A_296, %dma_wait3A_297] : memref<10112x128xf32, #tpu.memory_space<vmem_shared>> -> memref<10112x128xf32, #tpu.memory_space<vmem_shared>>
          tpu.wait_indirect_dma semaphore(%run_scoped3A : memref<!tpu.dma_semaphore, #tpu.memory_space<semaphore_mem>>) src(%arg10 : memref<128x128xf32, #tpu.memory_space<vmem>>) dst(%dma_wait3A_298 : memref<10112x128xf32, #tpu.memory_space<vmem_shared>>)
          tpu.yield
        }) : () -> ()
        %dma_start3A_128 = arith.constant 3 : i32
        %dma_start3A_129 = arith.constant 1 : i32
        %dma_start3A_130 = arith.constant 0 : i32
        %dma_start3A_131 = tpu.memref_slice %arg6[%dma_start3A_128, %dma_start3A_130] : memref<4x128xi32, #tpu.memory_space<vmem>> -> memref<1x128xi32, #tpu.memory_space<vmem>>
        %dma_start3A_132 = tpu.memref_squeeze %dma_start3A_131 : memref<1x128xi32, #tpu.memory_space<vmem>> -> memref<128xi32, #tpu.memory_space<vmem>>
        %dma_start3A_133 = arith.constant 0 : i32
        %dma_start3A_134 = arith.constant 0 : i32
        %dma_start3A_135 = tpu.memref_slice %arg4[%dma_start3A_133, %dma_start3A_134] : memref<10000x128xf32, #tpu.memory_space<hbm>> -> memref<10000x128xf32, #tpu.memory_space<hbm>>
        %dma_start3A_136 = tpu.memref_slice %arg13[%dma_start3A_129] : memref<2x!tpu.dma_semaphore, #tpu.memory_space<semaphore_mem>> -> memref<1x!tpu.dma_semaphore, #tpu.memory_space<semaphore_mem>>
        %dma_start3A_137 = tpu.memref_squeeze %dma_start3A_136 : memref<1x!tpu.dma_semaphore, #tpu.memory_space<semaphore_mem>> -> memref<!tpu.dma_semaphore, #tpu.memory_space<semaphore_mem>>
        tpu.enqueue_indirect_dma source(%dma_start3A_135 : memref<10000x128xf32, #tpu.memory_space<hbm>>) target(%arg10 : memref<128x128xf32, #tpu.memory_space<vmem>>) offsets(%dma_start3A_132 : memref<128xi32, #tpu.memory_space<vmem>>) semaphore(%dma_start3A_137 : memref<!tpu.dma_semaphore, #tpu.memory_space<semaphore_mem>>)
        %mul3A_138 = arith.constant 4 : i32
        %mul3A_139 = arith.muli %add3A_89, %mul3A_138 : i32
        %add3A_140 = arith.constant 2 : i32
        %add3A_141 = arith.addi %mul3A_139, %add3A_140 : i32
        %dma_wait3A_142 = arith.constant 2 : i32
        %dma_wait3A_143 = arith.constant 0 : i32
        %dma_wait3A_144 = arith.constant 0 : i32
        %dma_wait3A_145 = tpu.memref_slice %arg6[%dma_wait3A_142, %dma_wait3A_144] : memref<4x128xi32, #tpu.memory_space<vmem>> -> memref<1x128xi32, #tpu.memory_space<vmem>>
        %dma_wait3A_146 = tpu.memref_squeeze %dma_wait3A_145 : memref<1x128xi32, #tpu.memory_space<vmem>> -> memref<128xi32, #tpu.memory_space<vmem>>
        %dma_wait3A_147 = arith.constant 0 : i32
        %dma_wait3A_148 = arith.constant 0 : i32
        %dma_wait3A_149 = tpu.memref_slice %arg4[%dma_wait3A_147, %dma_wait3A_148] : memref<10000x128xf32, #tpu.memory_space<hbm>> -> memref<10000x128xf32, #tpu.memory_space<hbm>>
        %dma_wait3A_150 = tpu.memref_slice %arg13[%dma_wait3A_143] : memref<2x!tpu.dma_semaphore, #tpu.memory_space<semaphore_mem>> -> memref<1x!tpu.dma_semaphore, #tpu.memory_space<semaphore_mem>>
        %dma_wait3A_151 = tpu.memref_squeeze %dma_wait3A_150 : memref<1x!tpu.dma_semaphore, #tpu.memory_space<semaphore_mem>> -> memref<!tpu.dma_semaphore, #tpu.memory_space<semaphore_mem>>
        tpu.wait_indirect_dma semaphore(%dma_wait3A_151 : memref<!tpu.dma_semaphore, #tpu.memory_space<semaphore_mem>>) src(%dma_wait3A_149 : memref<10000x128xf32, #tpu.memory_space<hbm>>) dst(%arg9 : memref<128x128xf32, #tpu.memory_space<vmem>>)
        "tpu.region"() ({
          %run_scoped3A = tpu.sem_alloc : memref<!tpu.dma_semaphore, #tpu.memory_space<semaphore_mem>>
          %dma_start3A_287 = arith.constant 0 : i32
          %dma_start3A_288 = tpu.memref_slice %arg8[%add3A_141, %dma_start3A_287] : memref<120x128xi32, #tpu.memory_space<vmem>> -> memref<1x128xi32, #tpu.memory_space<vmem>>
          %dma_start3A_289 = tpu.memref_squeeze %dma_start3A_288 : memref<1x128xi32, #tpu.memory_space<vmem>> -> memref<128xi32, #tpu.memory_space<vmem>>
          %dma_start3A_290 = arith.constant 0 : i32
          %dma_start3A_291 = arith.constant 0 : i32
          %dma_start3A_292 = tpu.memref_slice %arg11[%dma_start3A_290, %dma_start3A_291] : memref<10112x128xf32, #tpu.memory_space<vmem_shared>> -> memref<10112x128xf32, #tpu.memory_space<vmem_shared>>
          tpu.enqueue_indirect_dma source(%arg9 : memref<128x128xf32, #tpu.memory_space<vmem>>) target(%dma_start3A_292 : memref<10112x128xf32, #tpu.memory_space<vmem_shared>>) offsets(%dma_start3A_289 : memref<128xi32, #tpu.memory_space<vmem>>) semaphore(%run_scoped3A : memref<!tpu.dma_semaphore, #tpu.memory_space<semaphore_mem>>) {add = true}
          %dma_wait3A_293 = arith.constant 0 : i32
          %dma_wait3A_294 = tpu.memref_slice %arg8[%add3A_141, %dma_wait3A_293] : memref<120x128xi32, #tpu.memory_space<vmem>> -> memref<1x128xi32, #tpu.memory_space<vmem>>
          %dma_wait3A_295 = tpu.memref_squeeze %dma_wait3A_294 : memref<1x128xi32, #tpu.memory_space<vmem>> -> memref<128xi32, #tpu.memory_space<vmem>>
          %dma_wait3A_296 = arith.constant 0 : i32
          %dma_wait3A_297 = arith.constant 0 : i32
          %dma_wait3A_298 = tpu.memref_slice %arg11[%dma_wait3A_296, %dma_wait3A_297] : memref<10112x128xf32, #tpu.memory_space<vmem_shared>> -> memref<10112x128xf32, #tpu.memory_space<vmem_shared>>
          tpu.wait_indirect_dma semaphore(%run_scoped3A : memref<!tpu.dma_semaphore, #tpu.memory_space<semaphore_mem>>) src(%arg9 : memref<128x128xf32, #tpu.memory_space<vmem>>) dst(%dma_wait3A_298 : memref<10112x128xf32, #tpu.memory_space<vmem_shared>>)
          tpu.yield
        }) : () -> ()
        %add3A_152 = arith.constant 1 : i32
        %add3A_153 = arith.addi %add3A_89, %add3A_152 : i32
        %lt3A = arith.constant 10 : i32
        %lt3A_154 = arith.cmpi slt, %add3A_153, %lt3A : i32
        %convert_element_type3A_155 = arith.extui %lt3A_154 : i1 to i32
        %cond3A_156 = arith.constant 0 : i32
        %cond3A_157 = arith.cmpi ne, %convert_element_type3A_155, %cond3A_156 : i32
        scf.if %cond3A_157 {
          %add3A_287 = arith.constant 1 : i32
          %add3A_288 = arith.addi %add3A_89, %add3A_287 : i32
          %mul3A_289 = arith.constant 4 : i32
          %mul3A_290 = arith.muli %add3A_288, %mul3A_289 : i32
          %add3A_291 = arith.addi %select_n3A, %mul3A_290 : i32
          %dma_wait3A_292 = arith.constant 1 : i32
          %dma_wait3A_293 = arith.constant 0 : i32
          %dma_wait3A_294 = tpu.memref_slice %arg2[%add3A_291, %dma_wait3A_293] : memref<2560x128xi32, #tpu.memory_space<hbm>> -> memref<4x128xi32, #tpu.memory_space<hbm>>
          %dma_wait3A_295 = tpu.memref_slice %arg12[%dma_wait3A_292] : memref<2x!tpu.dma_semaphore, #tpu.memory_space<semaphore_mem>> -> memref<1x!tpu.dma_semaphore, #tpu.memory_space<semaphore_mem>>
          %dma_wait3A_296 = tpu.memref_squeeze %dma_wait3A_295 : memref<1x!tpu.dma_semaphore, #tpu.memory_space<semaphore_mem>> -> memref<!tpu.dma_semaphore, #tpu.memory_space<semaphore_mem>>
          %dma_wait3A_297 = arith.constant 0 : i32
          %dma_wait3A_298 = tpu.memref_slice %arg2[%add3A_291, %dma_wait3A_297] : memref<2560x128xi32, #tpu.memory_space<hbm>> -> memref<4x128xi32, #tpu.memory_space<hbm>>
          tpu.wait_dma2 semaphore(%dma_wait3A_296 : memref<!tpu.dma_semaphore, #tpu.memory_space<semaphore_mem>>) src(%dma_wait3A_298 : memref<4x128xi32, #tpu.memory_space<hbm>>) dst(%arg7 : memref<4x128xi32, #tpu.memory_space<vmem>>)
          %dma_start3A_299 = arith.constant 0 : i32
          %dma_start3A_300 = arith.constant 0 : i32
          %dma_start3A_301 = arith.constant 0 : i32
          %dma_start3A_302 = tpu.memref_slice %arg7[%dma_start3A_299, %dma_start3A_301] : memref<4x128xi32, #tpu.memory_space<vmem>> -> memref<1x128xi32, #tpu.memory_space<vmem>>
          %dma_start3A_303 = tpu.memref_squeeze %dma_start3A_302 : memref<1x128xi32, #tpu.memory_space<vmem>> -> memref<128xi32, #tpu.memory_space<vmem>>
          %dma_start3A_304 = arith.constant 0 : i32
          %dma_start3A_305 = arith.constant 0 : i32
          %dma_start3A_306 = tpu.memref_slice %arg4[%dma_start3A_304, %dma_start3A_305] : memref<10000x128xf32, #tpu.memory_space<hbm>> -> memref<10000x128xf32, #tpu.memory_space<hbm>>
          %dma_start3A_307 = tpu.memref_slice %arg13[%dma_start3A_300] : memref<2x!tpu.dma_semaphore, #tpu.memory_space<semaphore_mem>> -> memref<1x!tpu.dma_semaphore, #tpu.memory_space<semaphore_mem>>
          %dma_start3A_308 = tpu.memref_squeeze %dma_start3A_307 : memref<1x!tpu.dma_semaphore, #tpu.memory_space<semaphore_mem>> -> memref<!tpu.dma_semaphore, #tpu.memory_space<semaphore_mem>>
          tpu.enqueue_indirect_dma source(%dma_start3A_306 : memref<10000x128xf32, #tpu.memory_space<hbm>>) target(%arg9 : memref<128x128xf32, #tpu.memory_space<vmem>>) offsets(%dma_start3A_303 : memref<128xi32, #tpu.memory_space<vmem>>) semaphore(%dma_start3A_308 : memref<!tpu.dma_semaphore, #tpu.memory_space<semaphore_mem>>)
        } else {
        }
        %mul3A_158 = arith.constant 4 : i32
        %mul3A_159 = arith.muli %add3A_89, %mul3A_158 : i32
        %add3A_160 = arith.constant 3 : i32
        %add3A_161 = arith.addi %mul3A_159, %add3A_160 : i32
        %dma_wait3A_162 = arith.constant 3 : i32
        %dma_wait3A_163 = arith.constant 1 : i32
        %dma_wait3A_164 = arith.constant 0 : i32
        %dma_wait3A_165 = tpu.memref_slice %arg6[%dma_wait3A_162, %dma_wait3A_164] : memref<4x128xi32, #tpu.memory_space<vmem>> -> memref<1x128xi32, #tpu.memory_space<vmem>>
        %dma_wait3A_166 = tpu.memref_squeeze %dma_wait3A_165 : memref<1x128xi32, #tpu.memory_space<vmem>> -> memref<128xi32, #tpu.memory_space<vmem>>
        %dma_wait3A_167 = arith.constant 0 : i32
        %dma_wait3A_168 = arith.constant 0 : i32
        %dma_wait3A_169 = tpu.memref_slice %arg4[%dma_wait3A_167, %dma_wait3A_168] : memref<10000x128xf32, #tpu.memory_space<hbm>> -> memref<10000x128xf32, #tpu.memory_space<hbm>>
        %dma_wait3A_170 = tpu.memref_slice %arg13[%dma_wait3A_163] : memref<2x!tpu.dma_semaphore, #tpu.memory_space<semaphore_mem>> -> memref<1x!tpu.dma_semaphore, #tpu.memory_space<semaphore_mem>>
        %dma_wait3A_171 = tpu.memref_squeeze %dma_wait3A_170 : memref<1x!tpu.dma_semaphore, #tpu.memory_space<semaphore_mem>> -> memref<!tpu.dma_semaphore, #tpu.memory_space<semaphore_mem>>
        tpu.wait_indirect_dma semaphore(%dma_wait3A_171 : memref<!tpu.dma_semaphore, #tpu.memory_space<semaphore_mem>>) src(%dma_wait3A_169 : memref<10000x128xf32, #tpu.memory_space<hbm>>) dst(%arg10 : memref<128x128xf32, #tpu.memory_space<vmem>>)
        "tpu.region"() ({
          %run_scoped3A = tpu.sem_alloc : memref<!tpu.dma_semaphore, #tpu.memory_space<semaphore_mem>>
          %dma_start3A_287 = arith.constant 0 : i32
          %dma_start3A_288 = tpu.memref_slice %arg8[%add3A_161, %dma_start3A_287] : memref<120x128xi32, #tpu.memory_space<vmem>> -> memref<1x128xi32, #tpu.memory_space<vmem>>
          %dma_start3A_289 = tpu.memref_squeeze %dma_start3A_288 : memref<1x128xi32, #tpu.memory_space<vmem>> -> memref<128xi32, #tpu.memory_space<vmem>>
          %dma_start3A_290 = arith.constant 0 : i32
          %dma_start3A_291 = arith.constant 0 : i32
          %dma_start3A_292 = tpu.memref_slice %arg11[%dma_start3A_290, %dma_start3A_291] : memref<10112x128xf32, #tpu.memory_space<vmem_shared>> -> memref<10112x128xf32, #tpu.memory_space<vmem_shared>>
          tpu.enqueue_indirect_dma source(%arg10 : memref<128x128xf32, #tpu.memory_space<vmem>>) target(%dma_start3A_292 : memref<10112x128xf32, #tpu.memory_space<vmem_shared>>) offsets(%dma_start3A_289 : memref<128xi32, #tpu.memory_space<vmem>>) semaphore(%run_scoped3A : memref<!tpu.dma_semaphore, #tpu.memory_space<semaphore_mem>>) {add = true}
          %dma_wait3A_293 = arith.constant 0 : i32
          %dma_wait3A_294 = tpu.memref_slice %arg8[%add3A_161, %dma_wait3A_293] : memref<120x128xi32, #tpu.memory_space<vmem>> -> memref<1x128xi32, #tpu.memory_space<vmem>>
          %dma_wait3A_295 = tpu.memref_squeeze %dma_wait3A_294 : memref<1x128xi32, #tpu.memory_space<vmem>> -> memref<128xi32, #tpu.memory_space<vmem>>
          %dma_wait3A_296 = arith.constant 0 : i32
          %dma_wait3A_297 = arith.constant 0 : i32
          %dma_wait3A_298 = tpu.memref_slice %arg11[%dma_wait3A_296, %dma_wait3A_297] : memref<10112x128xf32, #tpu.memory_space<vmem_shared>> -> memref<10112x128xf32, #tpu.memory_space<vmem_shared>>
          tpu.wait_indirect_dma semaphore(%run_scoped3A : memref<!tpu.dma_semaphore, #tpu.memory_space<semaphore_mem>>) src(%arg10 : memref<128x128xf32, #tpu.memory_space<vmem>>) dst(%dma_wait3A_298 : memref<10112x128xf32, #tpu.memory_space<vmem_shared>>)
          tpu.yield
        }) : () -> ()
        %add3A_172 = arith.constant 1 : i32
        %add3A_173 = arith.addi %add3A_89, %add3A_172 : i32
        %lt3A_174 = arith.constant 10 : i32
        %lt3A_175 = arith.cmpi slt, %add3A_173, %lt3A_174 : i32
        %convert_element_type3A_176 = arith.extui %lt3A_175 : i1 to i32
        %cond3A_177 = arith.constant 0 : i32
        %cond3A_178 = arith.cmpi ne, %convert_element_type3A_176, %cond3A_177 : i32
        scf.if %cond3A_178 {
          %dma_start3A_287 = arith.constant 1 : i32
          %dma_start3A_288 = arith.constant 1 : i32
          %dma_start3A_289 = arith.constant 0 : i32
          %dma_start3A_290 = tpu.memref_slice %arg7[%dma_start3A_287, %dma_start3A_289] : memref<4x128xi32, #tpu.memory_space<vmem>> -> memref<1x128xi32, #tpu.memory_space<vmem>>
          %dma_start3A_291 = tpu.memref_squeeze %dma_start3A_290 : memref<1x128xi32, #tpu.memory_space<vmem>> -> memref<128xi32, #tpu.memory_space<vmem>>
          %dma_start3A_292 = arith.constant 0 : i32
          %dma_start3A_293 = arith.constant 0 : i32
          %dma_start3A_294 = tpu.memref_slice %arg4[%dma_start3A_292, %dma_start3A_293] : memref<10000x128xf32, #tpu.memory_space<hbm>> -> memref<10000x128xf32, #tpu.memory_space<hbm>>
          %dma_start3A_295 = tpu.memref_slice %arg13[%dma_start3A_288] : memref<2x!tpu.dma_semaphore, #tpu.memory_space<semaphore_mem>> -> memref<1x!tpu.dma_semaphore, #tpu.memory_space<semaphore_mem>>
          %dma_start3A_296 = tpu.memref_squeeze %dma_start3A_295 : memref<1x!tpu.dma_semaphore, #tpu.memory_space<semaphore_mem>> -> memref<!tpu.dma_semaphore, #tpu.memory_space<semaphore_mem>>
          tpu.enqueue_indirect_dma source(%dma_start3A_294 : memref<10000x128xf32, #tpu.memory_space<hbm>>) target(%arg10 : memref<128x128xf32, #tpu.memory_space<vmem>>) offsets(%dma_start3A_291 : memref<128xi32, #tpu.memory_space<vmem>>) semaphore(%dma_start3A_296 : memref<!tpu.dma_semaphore, #tpu.memory_space<semaphore_mem>>)
        } else {
        }
        %add3A_179 = arith.constant 2 : i32
        %add3A_180 = arith.addi %add3A_89, %add3A_179 : i32
        %lt3A_181 = arith.constant 10 : i32
        %lt3A_182 = arith.cmpi slt, %add3A_180, %lt3A_181 : i32
        %convert_element_type3A_183 = arith.extui %lt3A_182 : i1 to i32
        %cond3A_184 = arith.constant 0 : i32
        %cond3A_185 = arith.cmpi ne, %convert_element_type3A_183, %cond3A_184 : i32
        scf.if %cond3A_185 {
          %add3A_287 = arith.constant 2 : i32
          %add3A_288 = arith.addi %add3A_89, %add3A_287 : i32
          %mul3A_289 = arith.constant 4 : i32
          %mul3A_290 = arith.muli %add3A_288, %mul3A_289 : i32
          %add3A_291 = arith.addi %select_n3A, %mul3A_290 : i32
          %dma_start3A_292 = arith.constant 0 : i32
          %dma_start3A_293 = arith.constant 0 : i32
          %dma_start3A_294 = tpu.memref_slice %arg2[%add3A_291, %dma_start3A_293] : memref<2560x128xi32, #tpu.memory_space<hbm>> -> memref<4x128xi32, #tpu.memory_space<hbm>>
          %dma_start3A_295 = tpu.memref_slice %arg12[%dma_start3A_292] : memref<2x!tpu.dma_semaphore, #tpu.memory_space<semaphore_mem>> -> memref<1x!tpu.dma_semaphore, #tpu.memory_space<semaphore_mem>>
          %dma_start3A_296 = tpu.memref_squeeze %dma_start3A_295 : memref<1x!tpu.dma_semaphore, #tpu.memory_space<semaphore_mem>> -> memref<!tpu.dma_semaphore, #tpu.memory_space<semaphore_mem>>
          %dma_start3A_297 = arith.constant 0 : i32
          %dma_start3A_298 = tpu.memref_slice %arg2[%add3A_291, %dma_start3A_297] : memref<2560x128xi32, #tpu.memory_space<hbm>> -> memref<4x128xi32, #tpu.memory_space<hbm>>
          tpu.enqueue_dma source(%dma_start3A_298 : memref<4x128xi32, #tpu.memory_space<hbm>>) target(%arg6 : memref<4x128xi32, #tpu.memory_space<vmem>>) target_semaphore(%dma_start3A_296 : memref<!tpu.dma_semaphore, #tpu.memory_space<semaphore_mem>>)
        } else {
        }
        %mul3A_186 = arith.constant 2 : i32
        %mul3A_187 = arith.muli %mul3A_186, %scan3A_85 : i32
        %add3A_188 = arith.constant 1 : i32
        %add3A_189 = arith.addi %mul3A_187, %add3A_188 : i32
        %mul3A_190 = arith.constant 4 : i32
        %mul3A_191 = arith.muli %add3A_189, %mul3A_190 : i32
        %add3A_192 = arith.constant 0 : i32
        %add3A_193 = arith.addi %mul3A_191, %add3A_192 : i32
        %dma_wait3A_194 = arith.constant 0 : i32
        %dma_wait3A_195 = arith.constant 0 : i32
        %dma_wait3A_196 = arith.constant 0 : i32
        %dma_wait3A_197 = tpu.memref_slice %arg7[%dma_wait3A_194, %dma_wait3A_196] : memref<4x128xi32, #tpu.memory_space<vmem>> -> memref<1x128xi32, #tpu.memory_space<vmem>>
        %dma_wait3A_198 = tpu.memref_squeeze %dma_wait3A_197 : memref<1x128xi32, #tpu.memory_space<vmem>> -> memref<128xi32, #tpu.memory_space<vmem>>
        %dma_wait3A_199 = arith.constant 0 : i32
        %dma_wait3A_200 = arith.constant 0 : i32
        %dma_wait3A_201 = tpu.memref_slice %arg4[%dma_wait3A_199, %dma_wait3A_200] : memref<10000x128xf32, #tpu.memory_space<hbm>> -> memref<10000x128xf32, #tpu.memory_space<hbm>>
        %dma_wait3A_202 = tpu.memref_slice %arg13[%dma_wait3A_195] : memref<2x!tpu.dma_semaphore, #tpu.memory_space<semaphore_mem>> -> memref<1x!tpu.dma_semaphore, #tpu.memory_space<semaphore_mem>>
        %dma_wait3A_203 = tpu.memref_squeeze %dma_wait3A_202 : memref<1x!tpu.dma_semaphore, #tpu.memory_space<semaphore_mem>> -> memref<!tpu.dma_semaphore, #tpu.memory_space<semaphore_mem>>
        tpu.wait_indirect_dma semaphore(%dma_wait3A_203 : memref<!tpu.dma_semaphore, #tpu.memory_space<semaphore_mem>>) src(%dma_wait3A_201 : memref<10000x128xf32, #tpu.memory_space<hbm>>) dst(%arg9 : memref<128x128xf32, #tpu.memory_space<vmem>>)
        "tpu.region"() ({
          %run_scoped3A = tpu.sem_alloc : memref<!tpu.dma_semaphore, #tpu.memory_space<semaphore_mem>>
          %dma_start3A_287 = arith.constant 0 : i32
          %dma_start3A_288 = tpu.memref_slice %arg8[%add3A_193, %dma_start3A_287] : memref<120x128xi32, #tpu.memory_space<vmem>> -> memref<1x128xi32, #tpu.memory_space<vmem>>
          %dma_start3A_289 = tpu.memref_squeeze %dma_start3A_288 : memref<1x128xi32, #tpu.memory_space<vmem>> -> memref<128xi32, #tpu.memory_space<vmem>>
          %dma_start3A_290 = arith.constant 0 : i32
          %dma_start3A_291 = arith.constant 0 : i32
          %dma_start3A_292 = tpu.memref_slice %arg11[%dma_start3A_290, %dma_start3A_291] : memref<10112x128xf32, #tpu.memory_space<vmem_shared>> -> memref<10112x128xf32, #tpu.memory_space<vmem_shared>>
          tpu.enqueue_indirect_dma source(%arg9 : memref<128x128xf32, #tpu.memory_space<vmem>>) target(%dma_start3A_292 : memref<10112x128xf32, #tpu.memory_space<vmem_shared>>) offsets(%dma_start3A_289 : memref<128xi32, #tpu.memory_space<vmem>>) semaphore(%run_scoped3A : memref<!tpu.dma_semaphore, #tpu.memory_space<semaphore_mem>>) {add = true}
          %dma_wait3A_293 = arith.constant 0 : i32
          %dma_wait3A_294 = tpu.memref_slice %arg8[%add3A_193, %dma_wait3A_293] : memref<120x128xi32, #tpu.memory_space<vmem>> -> memref<1x128xi32, #tpu.memory_space<vmem>>
          %dma_wait3A_295 = tpu.memref_squeeze %dma_wait3A_294 : memref<1x128xi32, #tpu.memory_space<vmem>> -> memref<128xi32, #tpu.memory_space<vmem>>
          %dma_wait3A_296 = arith.constant 0 : i32
          %dma_wait3A_297 = arith.constant 0 : i32
          %dma_wait3A_298 = tpu.memref_slice %arg11[%dma_wait3A_296, %dma_wait3A_297] : memref<10112x128xf32, #tpu.memory_space<vmem_shared>> -> memref<10112x128xf32, #tpu.memory_space<vmem_shared>>
          tpu.wait_indirect_dma semaphore(%run_scoped3A : memref<!tpu.dma_semaphore, #tpu.memory_space<semaphore_mem>>) src(%arg9 : memref<128x128xf32, #tpu.memory_space<vmem>>) dst(%dma_wait3A_298 : memref<10112x128xf32, #tpu.memory_space<vmem_shared>>)
          tpu.yield
        }) : () -> ()
        %dma_start3A_204 = arith.constant 2 : i32
        %dma_start3A_205 = arith.constant 0 : i32
        %dma_start3A_206 = arith.constant 0 : i32
        %dma_start3A_207 = tpu.memref_slice %arg7[%dma_start3A_204, %dma_start3A_206] : memref<4x128xi32, #tpu.memory_space<vmem>> -> memref<1x128xi32, #tpu.memory_space<vmem>>
        %dma_start3A_208 = tpu.memref_squeeze %dma_start3A_207 : memref<1x128xi32, #tpu.memory_space<vmem>> -> memref<128xi32, #tpu.memory_space<vmem>>
        %dma_start3A_209 = arith.constant 0 : i32
        %dma_start3A_210 = arith.constant 0 : i32
        %dma_start3A_211 = tpu.memref_slice %arg4[%dma_start3A_209, %dma_start3A_210] : memref<10000x128xf32, #tpu.memory_space<hbm>> -> memref<10000x128xf32, #tpu.memory_space<hbm>>
        %dma_start3A_212 = tpu.memref_slice %arg13[%dma_start3A_205] : memref<2x!tpu.dma_semaphore, #tpu.memory_space<semaphore_mem>> -> memref<1x!tpu.dma_semaphore, #tpu.memory_space<semaphore_mem>>
        %dma_start3A_213 = tpu.memref_squeeze %dma_start3A_212 : memref<1x!tpu.dma_semaphore, #tpu.memory_space<semaphore_mem>> -> memref<!tpu.dma_semaphore, #tpu.memory_space<semaphore_mem>>
        tpu.enqueue_indirect_dma source(%dma_start3A_211 : memref<10000x128xf32, #tpu.memory_space<hbm>>) target(%arg9 : memref<128x128xf32, #tpu.memory_space<vmem>>) offsets(%dma_start3A_208 : memref<128xi32, #tpu.memory_space<vmem>>) semaphore(%dma_start3A_213 : memref<!tpu.dma_semaphore, #tpu.memory_space<semaphore_mem>>)
        %mul3A_214 = arith.constant 4 : i32
        %mul3A_215 = arith.muli %add3A_189, %mul3A_214 : i32
        %add3A_216 = arith.constant 1 : i32
        %add3A_217 = arith.addi %mul3A_215, %add3A_216 : i32
        %dma_wait3A_218 = arith.constant 1 : i32
        %dma_wait3A_219 = arith.constant 1 : i32
        %dma_wait3A_220 = arith.constant 0 : i32
        %dma_wait3A_221 = tpu.memref_slice %arg7[%dma_wait3A_218, %dma_wait3A_220] : memref<4x128xi32, #tpu.memory_space<vmem>> -> memref<1x128xi32, #tpu.memory_space<vmem>>
        %dma_wait3A_222 = tpu.memref_squeeze %dma_wait3A_221 : memref<1x128xi32, #tpu.memory_space<vmem>> -> memref<128xi32, #tpu.memory_space<vmem>>
        %dma_wait3A_223 = arith.constant 0 : i32
        %dma_wait3A_224 = arith.constant 0 : i32
        %dma_wait3A_225 = tpu.memref_slice %arg4[%dma_wait3A_223, %dma_wait3A_224] : memref<10000x128xf32, #tpu.memory_space<hbm>> -> memref<10000x128xf32, #tpu.memory_space<hbm>>
        %dma_wait3A_226 = tpu.memref_slice %arg13[%dma_wait3A_219] : memref<2x!tpu.dma_semaphore, #tpu.memory_space<semaphore_mem>> -> memref<1x!tpu.dma_semaphore, #tpu.memory_space<semaphore_mem>>
        %dma_wait3A_227 = tpu.memref_squeeze %dma_wait3A_226 : memref<1x!tpu.dma_semaphore, #tpu.memory_space<semaphore_mem>> -> memref<!tpu.dma_semaphore, #tpu.memory_space<semaphore_mem>>
        tpu.wait_indirect_dma semaphore(%dma_wait3A_227 : memref<!tpu.dma_semaphore, #tpu.memory_space<semaphore_mem>>) src(%dma_wait3A_225 : memref<10000x128xf32, #tpu.memory_space<hbm>>) dst(%arg10 : memref<128x128xf32, #tpu.memory_space<vmem>>)
        "tpu.region"() ({
          %run_scoped3A = tpu.sem_alloc : memref<!tpu.dma_semaphore, #tpu.memory_space<semaphore_mem>>
          %dma_start3A_287 = arith.constant 0 : i32
          %dma_start3A_288 = tpu.memref_slice %arg8[%add3A_217, %dma_start3A_287] : memref<120x128xi32, #tpu.memory_space<vmem>> -> memref<1x128xi32, #tpu.memory_space<vmem>>
          %dma_start3A_289 = tpu.memref_squeeze %dma_start3A_288 : memref<1x128xi32, #tpu.memory_space<vmem>> -> memref<128xi32, #tpu.memory_space<vmem>>
          %dma_start3A_290 = arith.constant 0 : i32
          %dma_start3A_291 = arith.constant 0 : i32
          %dma_start3A_292 = tpu.memref_slice %arg11[%dma_start3A_290, %dma_start3A_291] : memref<10112x128xf32, #tpu.memory_space<vmem_shared>> -> memref<10112x128xf32, #tpu.memory_space<vmem_shared>>
          tpu.enqueue_indirect_dma source(%arg10 : memref<128x128xf32, #tpu.memory_space<vmem>>) target(%dma_start3A_292 : memref<10112x128xf32, #tpu.memory_space<vmem_shared>>) offsets(%dma_start3A_289 : memref<128xi32, #tpu.memory_space<vmem>>) semaphore(%run_scoped3A : memref<!tpu.dma_semaphore, #tpu.memory_space<semaphore_mem>>) {add = true}
          %dma_wait3A_293 = arith.constant 0 : i32
          %dma_wait3A_294 = tpu.memref_slice %arg8[%add3A_217, %dma_wait3A_293] : memref<120x128xi32, #tpu.memory_space<vmem>> -> memref<1x128xi32, #tpu.memory_space<vmem>>
          %dma_wait3A_295 = tpu.memref_squeeze %dma_wait3A_294 : memref<1x128xi32, #tpu.memory_space<vmem>> -> memref<128xi32, #tpu.memory_space<vmem>>
          %dma_wait3A_296 = arith.constant 0 : i32
          %dma_wait3A_297 = arith.constant 0 : i32
          %dma_wait3A_298 = tpu.memref_slice %arg11[%dma_wait3A_296, %dma_wait3A_297] : memref<10112x128xf32, #tpu.memory_space<vmem_shared>> -> memref<10112x128xf32, #tpu.memory_space<vmem_shared>>
          tpu.wait_indirect_dma semaphore(%run_scoped3A : memref<!tpu.dma_semaphore, #tpu.memory_space<semaphore_mem>>) src(%arg10 : memref<128x128xf32, #tpu.memory_space<vmem>>) dst(%dma_wait3A_298 : memref<10112x128xf32, #tpu.memory_space<vmem_shared>>)
          tpu.yield
        }) : () -> ()
        %dma_start3A_228 = arith.constant 3 : i32
        %dma_start3A_229 = arith.constant 1 : i32
        %dma_start3A_230 = arith.constant 0 : i32
        %dma_start3A_231 = tpu.memref_slice %arg7[%dma_start3A_228, %dma_start3A_230] : memref<4x128xi32, #tpu.memory_space<vmem>> -> memref<1x128xi32, #tpu.memory_space<vmem>>
        %dma_start3A_232 = tpu.memref_squeeze %dma_start3A_231 : memref<1x128xi32, #tpu.memory_space<vmem>> -> memref<128xi32, #tpu.memory_space<vmem>>
        %dma_start3A_233 = arith.constant 0 : i32
        %dma_start3A_234 = arith.constant 0 : i32
        %dma_start3A_235 = tpu.memref_slice %arg4[%dma_start3A_233, %dma_start3A_234] : memref<10000x128xf32, #tpu.memory_space<hbm>> -> memref<10000x128xf32, #tpu.memory_space<hbm>>
        %dma_start3A_236 = tpu.memref_slice %arg13[%dma_start3A_229] : memref<2x!tpu.dma_semaphore, #tpu.memory_space<semaphore_mem>> -> memref<1x!tpu.dma_semaphore, #tpu.memory_space<semaphore_mem>>
        %dma_start3A_237 = tpu.memref_squeeze %dma_start3A_236 : memref<1x!tpu.dma_semaphore, #tpu.memory_space<semaphore_mem>> -> memref<!tpu.dma_semaphore, #tpu.memory_space<semaphore_mem>>
        tpu.enqueue_indirect_dma source(%dma_start3A_235 : memref<10000x128xf32, #tpu.memory_space<hbm>>) target(%arg10 : memref<128x128xf32, #tpu.memory_space<vmem>>) offsets(%dma_start3A_232 : memref<128xi32, #tpu.memory_space<vmem>>) semaphore(%dma_start3A_237 : memref<!tpu.dma_semaphore, #tpu.memory_space<semaphore_mem>>)
        %mul3A_238 = arith.constant 4 : i32
        %mul3A_239 = arith.muli %add3A_189, %mul3A_238 : i32
        %add3A_240 = arith.constant 2 : i32
        %add3A_241 = arith.addi %mul3A_239, %add3A_240 : i32
        %dma_wait3A_242 = arith.constant 2 : i32
        %dma_wait3A_243 = arith.constant 0 : i32
        %dma_wait3A_244 = arith.constant 0 : i32
        %dma_wait3A_245 = tpu.memref_slice %arg7[%dma_wait3A_242, %dma_wait3A_244] : memref<4x128xi32, #tpu.memory_space<vmem>> -> memref<1x128xi32, #tpu.memory_space<vmem>>
        %dma_wait3A_246 = tpu.memref_squeeze %dma_wait3A_245 : memref<1x128xi32, #tpu.memory_space<vmem>> -> memref<128xi32, #tpu.memory_space<vmem>>
        %dma_wait3A_247 = arith.constant 0 : i32
        %dma_wait3A_248 = arith.constant 0 : i32
        %dma_wait3A_249 = tpu.memref_slice %arg4[%dma_wait3A_247, %dma_wait3A_248] : memref<10000x128xf32, #tpu.memory_space<hbm>> -> memref<10000x128xf32, #tpu.memory_space<hbm>>
        %dma_wait3A_250 = tpu.memref_slice %arg13[%dma_wait3A_243] : memref<2x!tpu.dma_semaphore, #tpu.memory_space<semaphore_mem>> -> memref<1x!tpu.dma_semaphore, #tpu.memory_space<semaphore_mem>>
        %dma_wait3A_251 = tpu.memref_squeeze %dma_wait3A_250 : memref<1x!tpu.dma_semaphore, #tpu.memory_space<semaphore_mem>> -> memref<!tpu.dma_semaphore, #tpu.memory_space<semaphore_mem>>
        tpu.wait_indirect_dma semaphore(%dma_wait3A_251 : memref<!tpu.dma_semaphore, #tpu.memory_space<semaphore_mem>>) src(%dma_wait3A_249 : memref<10000x128xf32, #tpu.memory_space<hbm>>) dst(%arg9 : memref<128x128xf32, #tpu.memory_space<vmem>>)
        "tpu.region"() ({
          %run_scoped3A = tpu.sem_alloc : memref<!tpu.dma_semaphore, #tpu.memory_space<semaphore_mem>>
          %dma_start3A_287 = arith.constant 0 : i32
          %dma_start3A_288 = tpu.memref_slice %arg8[%add3A_241, %dma_start3A_287] : memref<120x128xi32, #tpu.memory_space<vmem>> -> memref<1x128xi32, #tpu.memory_space<vmem>>
          %dma_start3A_289 = tpu.memref_squeeze %dma_start3A_288 : memref<1x128xi32, #tpu.memory_space<vmem>> -> memref<128xi32, #tpu.memory_space<vmem>>
          %dma_start3A_290 = arith.constant 0 : i32
          %dma_start3A_291 = arith.constant 0 : i32
          %dma_start3A_292 = tpu.memref_slice %arg11[%dma_start3A_290, %dma_start3A_291] : memref<10112x128xf32, #tpu.memory_space<vmem_shared>> -> memref<10112x128xf32, #tpu.memory_space<vmem_shared>>
          tpu.enqueue_indirect_dma source(%arg9 : memref<128x128xf32, #tpu.memory_space<vmem>>) target(%dma_start3A_292 : memref<10112x128xf32, #tpu.memory_space<vmem_shared>>) offsets(%dma_start3A_289 : memref<128xi32, #tpu.memory_space<vmem>>) semaphore(%run_scoped3A : memref<!tpu.dma_semaphore, #tpu.memory_space<semaphore_mem>>) {add = true}
          %dma_wait3A_293 = arith.constant 0 : i32
          %dma_wait3A_294 = tpu.memref_slice %arg8[%add3A_241, %dma_wait3A_293] : memref<120x128xi32, #tpu.memory_space<vmem>> -> memref<1x128xi32, #tpu.memory_space<vmem>>
          %dma_wait3A_295 = tpu.memref_squeeze %dma_wait3A_294 : memref<1x128xi32, #tpu.memory_space<vmem>> -> memref<128xi32, #tpu.memory_space<vmem>>
          %dma_wait3A_296 = arith.constant 0 : i32
          %dma_wait3A_297 = arith.constant 0 : i32
          %dma_wait3A_298 = tpu.memref_slice %arg11[%dma_wait3A_296, %dma_wait3A_297] : memref<10112x128xf32, #tpu.memory_space<vmem_shared>> -> memref<10112x128xf32, #tpu.memory_space<vmem_shared>>
          tpu.wait_indirect_dma semaphore(%run_scoped3A : memref<!tpu.dma_semaphore, #tpu.memory_space<semaphore_mem>>) src(%arg9 : memref<128x128xf32, #tpu.memory_space<vmem>>) dst(%dma_wait3A_298 : memref<10112x128xf32, #tpu.memory_space<vmem_shared>>)
          tpu.yield
        }) : () -> ()
        %add3A_252 = arith.constant 1 : i32
        %add3A_253 = arith.addi %add3A_189, %add3A_252 : i32
        %lt3A_254 = arith.constant 10 : i32
        %lt3A_255 = arith.cmpi slt, %add3A_253, %lt3A_254 : i32
        %convert_element_type3A_256 = arith.extui %lt3A_255 : i1 to i32
        %cond3A_257 = arith.constant 0 : i32
        %cond3A_258 = arith.cmpi ne, %convert_element_type3A_256, %cond3A_257 : i32
        scf.if %cond3A_258 {
          %add3A_287 = arith.constant 1 : i32
          %add3A_288 = arith.addi %add3A_189, %add3A_287 : i32
          %mul3A_289 = arith.constant 4 : i32
          %mul3A_290 = arith.muli %add3A_288, %mul3A_289 : i32
          %add3A_291 = arith.addi %select_n3A, %mul3A_290 : i32
          %dma_wait3A_292 = arith.constant 0 : i32
          %dma_wait3A_293 = arith.constant 0 : i32
          %dma_wait3A_294 = tpu.memref_slice %arg2[%add3A_291, %dma_wait3A_293] : memref<2560x128xi32, #tpu.memory_space<hbm>> -> memref<4x128xi32, #tpu.memory_space<hbm>>
          %dma_wait3A_295 = tpu.memref_slice %arg12[%dma_wait3A_292] : memref<2x!tpu.dma_semaphore, #tpu.memory_space<semaphore_mem>> -> memref<1x!tpu.dma_semaphore, #tpu.memory_space<semaphore_mem>>
          %dma_wait3A_296 = tpu.memref_squeeze %dma_wait3A_295 : memref<1x!tpu.dma_semaphore, #tpu.memory_space<semaphore_mem>> -> memref<!tpu.dma_semaphore, #tpu.memory_space<semaphore_mem>>
          %dma_wait3A_297 = arith.constant 0 : i32
          %dma_wait3A_298 = tpu.memref_slice %arg2[%add3A_291, %dma_wait3A_297] : memref<2560x128xi32, #tpu.memory_space<hbm>> -> memref<4x128xi32, #tpu.memory_space<hbm>>
          tpu.wait_dma2 semaphore(%dma_wait3A_296 : memref<!tpu.dma_semaphore, #tpu.memory_space<semaphore_mem>>) src(%dma_wait3A_298 : memref<4x128xi32, #tpu.memory_space<hbm>>) dst(%arg6 : memref<4x128xi32, #tpu.memory_space<vmem>>)
          %dma_start3A_299 = arith.constant 0 : i32
          %dma_start3A_300 = arith.constant 0 : i32
          %dma_start3A_301 = arith.constant 0 : i32
          %dma_start3A_302 = tpu.memref_slice %arg6[%dma_start3A_299, %dma_start3A_301] : memref<4x128xi32, #tpu.memory_space<vmem>> -> memref<1x128xi32, #tpu.memory_space<vmem>>
          %dma_start3A_303 = tpu.memref_squeeze %dma_start3A_302 : memref<1x128xi32, #tpu.memory_space<vmem>> -> memref<128xi32, #tpu.memory_space<vmem>>
          %dma_start3A_304 = arith.constant 0 : i32
          %dma_start3A_305 = arith.constant 0 : i32
          %dma_start3A_306 = tpu.memref_slice %arg4[%dma_start3A_304, %dma_start3A_305] : memref<10000x128xf32, #tpu.memory_space<hbm>> -> memref<10000x128xf32, #tpu.memory_space<hbm>>
          %dma_start3A_307 = tpu.memref_slice %arg13[%dma_start3A_300] : memref<2x!tpu.dma_semaphore, #tpu.memory_space<semaphore_mem>> -> memref<1x!tpu.dma_semaphore, #tpu.memory_space<semaphore_mem>>
          %dma_start3A_308 = tpu.memref_squeeze %dma_start3A_307 : memref<1x!tpu.dma_semaphore, #tpu.memory_space<semaphore_mem>> -> memref<!tpu.dma_semaphore, #tpu.memory_space<semaphore_mem>>
          tpu.enqueue_indirect_dma source(%dma_start3A_306 : memref<10000x128xf32, #tpu.memory_space<hbm>>) target(%arg9 : memref<128x128xf32, #tpu.memory_space<vmem>>) offsets(%dma_start3A_303 : memref<128xi32, #tpu.memory_space<vmem>>) semaphore(%dma_start3A_308 : memref<!tpu.dma_semaphore, #tpu.memory_space<semaphore_mem>>)
        } else {
        }
        %mul3A_259 = arith.constant 4 : i32
        %mul3A_260 = arith.muli %add3A_189, %mul3A_259 : i32
        %add3A_261 = arith.constant 3 : i32
        %add3A_262 = arith.addi %mul3A_260, %add3A_261 : i32
        %dma_wait3A_263 = arith.constant 3 : i32
        %dma_wait3A_264 = arith.constant 1 : i32
        %dma_wait3A_265 = arith.constant 0 : i32
        %dma_wait3A_266 = tpu.memref_slice %arg7[%dma_wait3A_263, %dma_wait3A_265] : memref<4x128xi32, #tpu.memory_space<vmem>> -> memref<1x128xi32, #tpu.memory_space<vmem>>
        %dma_wait3A_267 = tpu.memref_squeeze %dma_wait3A_266 : memref<1x128xi32, #tpu.memory_space<vmem>> -> memref<128xi32, #tpu.memory_space<vmem>>
        %dma_wait3A_268 = arith.constant 0 : i32
        %dma_wait3A_269 = arith.constant 0 : i32
        %dma_wait3A_270 = tpu.memref_slice %arg4[%dma_wait3A_268, %dma_wait3A_269] : memref<10000x128xf32, #tpu.memory_space<hbm>> -> memref<10000x128xf32, #tpu.memory_space<hbm>>
        %dma_wait3A_271 = tpu.memref_slice %arg13[%dma_wait3A_264] : memref<2x!tpu.dma_semaphore, #tpu.memory_space<semaphore_mem>> -> memref<1x!tpu.dma_semaphore, #tpu.memory_space<semaphore_mem>>
        %dma_wait3A_272 = tpu.memref_squeeze %dma_wait3A_271 : memref<1x!tpu.dma_semaphore, #tpu.memory_space<semaphore_mem>> -> memref<!tpu.dma_semaphore, #tpu.memory_space<semaphore_mem>>
        tpu.wait_indirect_dma semaphore(%dma_wait3A_272 : memref<!tpu.dma_semaphore, #tpu.memory_space<semaphore_mem>>) src(%dma_wait3A_270 : memref<10000x128xf32, #tpu.memory_space<hbm>>) dst(%arg10 : memref<128x128xf32, #tpu.memory_space<vmem>>)
        "tpu.region"() ({
          %run_scoped3A = tpu.sem_alloc : memref<!tpu.dma_semaphore, #tpu.memory_space<semaphore_mem>>
          %dma_start3A_287 = arith.constant 0 : i32
          %dma_start3A_288 = tpu.memref_slice %arg8[%add3A_262, %dma_start3A_287] : memref<120x128xi32, #tpu.memory_space<vmem>> -> memref<1x128xi32, #tpu.memory_space<vmem>>
          %dma_start3A_289 = tpu.memref_squeeze %dma_start3A_288 : memref<1x128xi32, #tpu.memory_space<vmem>> -> memref<128xi32, #tpu.memory_space<vmem>>
          %dma_start3A_290 = arith.constant 0 : i32
          %dma_start3A_291 = arith.constant 0 : i32
          %dma_start3A_292 = tpu.memref_slice %arg11[%dma_start3A_290, %dma_start3A_291] : memref<10112x128xf32, #tpu.memory_space<vmem_shared>> -> memref<10112x128xf32, #tpu.memory_space<vmem_shared>>
          tpu.enqueue_indirect_dma source(%arg10 : memref<128x128xf32, #tpu.memory_space<vmem>>) target(%dma_start3A_292 : memref<10112x128xf32, #tpu.memory_space<vmem_shared>>) offsets(%dma_start3A_289 : memref<128xi32, #tpu.memory_space<vmem>>) semaphore(%run_scoped3A : memref<!tpu.dma_semaphore, #tpu.memory_space<semaphore_mem>>) {add = true}
          %dma_wait3A_293 = arith.constant 0 : i32
          %dma_wait3A_294 = tpu.memref_slice %arg8[%add3A_262, %dma_wait3A_293] : memref<120x128xi32, #tpu.memory_space<vmem>> -> memref<1x128xi32, #tpu.memory_space<vmem>>
          %dma_wait3A_295 = tpu.memref_squeeze %dma_wait3A_294 : memref<1x128xi32, #tpu.memory_space<vmem>> -> memref<128xi32, #tpu.memory_space<vmem>>
          %dma_wait3A_296 = arith.constant 0 : i32
          %dma_wait3A_297 = arith.constant 0 : i32
          %dma_wait3A_298 = tpu.memref_slice %arg11[%dma_wait3A_296, %dma_wait3A_297] : memref<10112x128xf32, #tpu.memory_space<vmem_shared>> -> memref<10112x128xf32, #tpu.memory_space<vmem_shared>>
          tpu.wait_indirect_dma semaphore(%run_scoped3A : memref<!tpu.dma_semaphore, #tpu.memory_space<semaphore_mem>>) src(%arg10 : memref<128x128xf32, #tpu.memory_space<vmem>>) dst(%dma_wait3A_298 : memref<10112x128xf32, #tpu.memory_space<vmem_shared>>)
          tpu.yield
        }) : () -> ()
        %add3A_273 = arith.constant 1 : i32
        %add3A_274 = arith.addi %add3A_189, %add3A_273 : i32
        %lt3A_275 = arith.constant 10 : i32
        %lt3A_276 = arith.cmpi slt, %add3A_274, %lt3A_275 : i32
        %convert_element_type3A_277 = arith.extui %lt3A_276 : i1 to i32
        %cond3A_278 = arith.constant 0 : i32
        %cond3A_279 = arith.cmpi ne, %convert_element_type3A_277, %cond3A_278 : i32
        scf.if %cond3A_279 {
          %dma_start3A_287 = arith.constant 1 : i32
          %dma_start3A_288 = arith.constant 1 : i32
          %dma_start3A_289 = arith.constant 0 : i32
          %dma_start3A_290 = tpu.memref_slice %arg6[%dma_start3A_287, %dma_start3A_289] : memref<4x128xi32, #tpu.memory_space<vmem>> -> memref<1x128xi32, #tpu.memory_space<vmem>>
          %dma_start3A_291 = tpu.memref_squeeze %dma_start3A_290 : memref<1x128xi32, #tpu.memory_space<vmem>> -> memref<128xi32, #tpu.memory_space<vmem>>
          %dma_start3A_292 = arith.constant 0 : i32
          %dma_start3A_293 = arith.constant 0 : i32
          %dma_start3A_294 = tpu.memref_slice %arg4[%dma_start3A_292, %dma_start3A_293] : memref<10000x128xf32, #tpu.memory_space<hbm>> -> memref<10000x128xf32, #tpu.memory_space<hbm>>
          %dma_start3A_295 = tpu.memref_slice %arg13[%dma_start3A_288] : memref<2x!tpu.dma_semaphore, #tpu.memory_space<semaphore_mem>> -> memref<1x!tpu.dma_semaphore, #tpu.memory_space<semaphore_mem>>
          %dma_start3A_296 = tpu.memref_squeeze %dma_start3A_295 : memref<1x!tpu.dma_semaphore, #tpu.memory_space<semaphore_mem>> -> memref<!tpu.dma_semaphore, #tpu.memory_space<semaphore_mem>>
          tpu.enqueue_indirect_dma source(%dma_start3A_294 : memref<10000x128xf32, #tpu.memory_space<hbm>>) target(%arg10 : memref<128x128xf32, #tpu.memory_space<vmem>>) offsets(%dma_start3A_291 : memref<128xi32, #tpu.memory_space<vmem>>) semaphore(%dma_start3A_296 : memref<!tpu.dma_semaphore, #tpu.memory_space<semaphore_mem>>)
        } else {
        }
        %add3A_280 = arith.constant 2 : i32
        %add3A_281 = arith.addi %add3A_189, %add3A_280 : i32
        %lt3A_282 = arith.constant 10 : i32
        %lt3A_283 = arith.cmpi slt, %add3A_281, %lt3A_282 : i32
        %convert_element_type3A_284 = arith.extui %lt3A_283 : i1 to i32
        %cond3A_285 = arith.constant 0 : i32
        %cond3A_286 = arith.cmpi ne, %convert_element_type3A_284, %cond3A_285 : i32
        scf.if %cond3A_286 {
          %add3A_287 = arith.constant 2 : i32
          %add3A_288 = arith.addi %add3A_189, %add3A_287 : i32
          %mul3A_289 = arith.constant 4 : i32
          %mul3A_290 = arith.muli %add3A_288, %mul3A_289 : i32
          %add3A_291 = arith.addi %select_n3A, %mul3A_290 : i32
          %dma_start3A_292 = arith.constant 1 : i32
          %dma_start3A_293 = arith.constant 0 : i32
          %dma_start3A_294 = tpu.memref_slice %arg2[%add3A_291, %dma_start3A_293] : memref<2560x128xi32, #tpu.memory_space<hbm>> -> memref<4x128xi32, #tpu.memory_space<hbm>>
          %dma_start3A_295 = tpu.memref_slice %arg12[%dma_start3A_292] : memref<2x!tpu.dma_semaphore, #tpu.memory_space<semaphore_mem>> -> memref<1x!tpu.dma_semaphore, #tpu.memory_space<semaphore_mem>>
          %dma_start3A_296 = tpu.memref_squeeze %dma_start3A_295 : memref<1x!tpu.dma_semaphore, #tpu.memory_space<semaphore_mem>> -> memref<!tpu.dma_semaphore, #tpu.memory_space<semaphore_mem>>
          %dma_start3A_297 = arith.constant 0 : i32
          %dma_start3A_298 = tpu.memref_slice %arg2[%add3A_291, %dma_start3A_297] : memref<2560x128xi32, #tpu.memory_space<hbm>> -> memref<4x128xi32, #tpu.memory_space<hbm>>
          tpu.enqueue_dma source(%dma_start3A_298 : memref<4x128xi32, #tpu.memory_space<hbm>>) target(%arg7 : memref<4x128xi32, #tpu.memory_space<vmem>>) target_semaphore(%dma_start3A_296 : memref<!tpu.dma_semaphore, #tpu.memory_space<semaphore_mem>>)
        } else {
        }
      }
      %scan3A_84 = arith.constant 5 : i32
    } else {
    }
    %barrier3A_37 = arith.constant 0 : index
    tpu.barrier barrier_id(%barrier3A_37)
    %mul3A_38 = arith.constant 632 : i32
    %mul3A_39 = arith.muli %arg1, %mul3A_38 : i32
    %mul3A_40 = arith.constant 632 : i32
    %mul3A_41 = arith.muli %arg1, %mul3A_40 : i32
    "tpu.region"() ({
      %run_scoped3A = tpu.sem_alloc : memref<!tpu.dma_semaphore, #tpu.memory_space<semaphore_mem>>
      %dma_start3A_42 = arith.constant 0 : i32
      %dma_start3A_43 = tpu.memref_slice %arg5[%arg0, %mul3A_41, %dma_start3A_42] : memref<2x10112x128xf32, #tpu.memory_space<hbm>> -> memref<1x632x128xf32, #tpu.memory_space<hbm>>
      %dma_start3A_44 = tpu.memref_squeeze %dma_start3A_43 : memref<1x632x128xf32, #tpu.memory_space<hbm>> -> memref<632x128xf32, #tpu.memory_space<hbm>>
      %dma_start3A_45 = arith.constant 0 : i32
      %dma_start3A_46 = tpu.memref_slice %arg11[%mul3A_39, %dma_start3A_45] : memref<10112x128xf32, #tpu.memory_space<vmem_shared>> -> memref<632x128xf32, #tpu.memory_space<vmem_shared>>
      tpu.enqueue_dma source(%dma_start3A_46 : memref<632x128xf32, #tpu.memory_space<vmem_shared>>) target(%dma_start3A_44 : memref<632x128xf32, #tpu.memory_space<hbm>>) target_semaphore(%run_scoped3A : memref<!tpu.dma_semaphore, #tpu.memory_space<semaphore_mem>>)
      %dma_wait3A = arith.constant 0 : i32
      %dma_wait3A_47 = tpu.memref_slice %arg5[%arg0, %mul3A_41, %dma_wait3A] : memref<2x10112x128xf32, #tpu.memory_space<hbm>> -> memref<1x632x128xf32, #tpu.memory_space<hbm>>
      %dma_wait3A_48 = tpu.memref_squeeze %dma_wait3A_47 : memref<1x632x128xf32, #tpu.memory_space<hbm>> -> memref<632x128xf32, #tpu.memory_space<hbm>>
      %dma_wait3A_49 = arith.constant 0 : i32
      %dma_wait3A_50 = tpu.memref_slice %arg11[%mul3A_39, %dma_wait3A_49] : memref<10112x128xf32, #tpu.memory_space<vmem_shared>> -> memref<632x128xf32, #tpu.memory_space<vmem_shared>>
      tpu.wait_dma2 semaphore(%run_scoped3A : memref<!tpu.dma_semaphore, #tpu.memory_space<semaphore_mem>>) src(%dma_wait3A_50 : memref<632x128xf32, #tpu.memory_space<vmem_shared>>) dst(%dma_wait3A_48 : memref<632x128xf32, #tpu.memory_space<hbm>>)
      tpu.yield
    }) : () -> ()
    return
  }
}

module attributes {stable_mosaic.version = 14 : i64} {
  func.func @body(%arg0: memref<32x10112xf32, #tpu.memory_space<vmem>>, %arg1: memref<10112xf32, #tpu.memory_space<vmem>>) attributes {dimension_semantics = [], scalar_prefetch = 0 : i64, scratch_operands = 0 : i64, tpu.core_type = #tpu.core_type<tc>} {
    %get3A = arith.constant 0 : index
    %get3A_0 = arith.constant 0 : index
    %get3A_1 = vector.load %arg0[%get3A, %get3A_0] : memref<32x10112xf32, #tpu.memory_space<vmem>>, vector<32x10112xf32>
    %reduce_sum3A = arith.constant dense<0.000000e+00> : vector<10112xf32>
    %reduce_sum3A_2 = vector.multi_reduction <add>, %get3A_1, %reduce_sum3A [0] : vector<32x10112xf32> to vector<10112xf32>
    %add3A = arith.constant 1.000000e+00 : f32
    %add3A_3 = vector.broadcast %add3A : f32 to vector<10112xf32>
    %add3A_4 = arith.addf %reduce_sum3A_2, %add3A_3 : vector<10112xf32>
    %rsqrt3A = math.rsqrt %add3A_4 : vector<10112xf32>
    %swap3A = arith.constant 0 : index
    %swap3A_5 = vector.load %arg1[%swap3A] : memref<10112xf32, #tpu.memory_space<vmem>>, vector<10112xf32>
    tpu.vector_store %arg1[%swap3A], %rsqrt3A {strides = array<i32>} : memref<10112xf32, #tpu.memory_space<vmem>>, vector<10112xf32>,
    return
  }
}

module attributes {stable_mosaic.version = 14 : i64} {
  func.func @body(%arg0: memref<10000x128xf32, #tpu.memory_space<vmem>>, %arg1: memref<10000x1xf32, #tpu.memory_space<vmem>>, %arg2: memref<10000x128xf32, #tpu.memory_space<vmem>>) attributes {dimension_semantics = [], scalar_prefetch = 0 : i64, scratch_operands = 0 : i64, tpu.core_type = #tpu.core_type<tc>} {
    %get3A = arith.constant 0 : index
    %get3A_0 = arith.constant 0 : index
    %get3A_1 = vector.load %arg0[%get3A, %get3A_0] : memref<10000x128xf32, #tpu.memory_space<vmem>>, vector<10000x128xf32>
    %get3A_2 = arith.constant 0 : index
    %get3A_3 = arith.constant 0 : index
    %get3A_4 = vector.load %arg1[%get3A_2, %get3A_3] : memref<10000x1xf32, #tpu.memory_space<vmem>>, vector<10000x1xf32>
    %mul3A = vector.broadcast %get3A_4 : vector<10000x1xf32> to vector<10000x128xf32>
    %mul3A_5 = arith.mulf %get3A_1, %mul3A : vector<10000x128xf32>
    %swap3A = arith.constant 0 : index
    %swap3A_6 = arith.constant 0 : index
    %swap3A_7 = vector.load %arg2[%swap3A, %swap3A_6] : memref<10000x128xf32, #tpu.memory_space<vmem>>, vector<10000x128xf32>
    tpu.vector_store %arg2[%swap3A, %swap3A_6], %mul3A_5 {strides = array<i32>} : memref<10000x128xf32, #tpu.memory_space<vmem>>, vector<10000x128xf32>,
    return
  }
}

module attributes {stable_mosaic.version = 14 : i64} {
  func.func @body(%arg0: i32, %arg1: memref<2x1000x128xf32, #tpu.memory_space<vmem>>, %arg2: memref<1000x128xf32, #tpu.memory_space<vmem>>, %arg3: memref<1000x1xf32, #tpu.memory_space<vmem>>, %arg4: memref<128x512xf32, #tpu.memory_space<vmem>>, %arg5: memref<1x512xf32, #tpu.memory_space<vmem>>, %arg6: memref<1x512xf32, #tpu.memory_space<vmem>>, %arg7: memref<1000x512xf32, #tpu.memory_space<vmem>>) attributes {dimension_semantics = [#tpu.dimension_semantics<arbitrary>], iteration_bounds = array<i64: 10>, scalar_prefetch = 0 : i64, scratch_operands = 0 : i64, tpu.core_type = #tpu.core_type<tc>, window_params = [{transform_indices = @transform_0, window_bounds = array<i64: 2, 1000, 128>}, {transform_indices = @transform_1, window_bounds = array<i64: 1000, 128>}, {transform_indices = @transform_2, window_bounds = array<i64: 1000, 1>}, {pipeline_mode = #tpu.pipeline_mode<synchronous>, transform_indices = @transform_3, window_bounds = array<i64: 128, 512>}, {pipeline_mode = #tpu.pipeline_mode<synchronous>, transform_indices = @transform_4, window_bounds = array<i64: 1, 512>}, {pipeline_mode = #tpu.pipeline_mode<synchronous>, transform_indices = @transform_5, window_bounds = array<i64: 1, 512>}, {transform_indices = @transform_6, window_bounds = array<i64: 1000, 512>}]} {
    %get3A = arith.constant 0 : index
    %get3A_0 = arith.constant 0 : index
    %get3A_1 = arith.constant 0 : index
    %get3A_2 = vector.load %arg1[%get3A, %get3A_0, %get3A_1] : memref<2x1000x128xf32, #tpu.memory_space<vmem>>, vector<1x1000x128xf32>
    %get3A_3 = vector.shape_cast %get3A_2 : vector<1x1000x128xf32> to vector<1000x128xf32>
    %get3A_4 = arith.constant 1 : index
    %get3A_5 = arith.constant 0 : index
    %get3A_6 = arith.constant 0 : index
    %get3A_7 = vector.load %arg1[%get3A_4, %get3A_5, %get3A_6] : memref<2x1000x128xf32, #tpu.memory_space<vmem>>, vector<1x1000x128xf32>
    %get3A_8 = vector.shape_cast %get3A_7 : vector<1x1000x128xf32> to vector<1000x128xf32>
    %add3A = arith.addf %get3A_3, %get3A_8 : vector<1000x128xf32>
    %get3A_9 = arith.constant 0 : index
    %get3A_10 = arith.constant 0 : index
    %get3A_11 = vector.load %arg2[%get3A_9, %get3A_10] : memref<1000x128xf32, #tpu.memory_space<vmem>>, vector<1000x128xf32>
    %add3A_12 = arith.addf %add3A, %get3A_11 : vector<1000x128xf32>
    %get3A_13 = arith.constant 0 : index
    %get3A_14 = arith.constant 0 : index
    %get3A_15 = vector.load %arg3[%get3A_13, %get3A_14] : memref<1000x1xf32, #tpu.memory_space<vmem>>, vector<1000x1xf32>
    %mul3A = vector.broadcast %get3A_15 : vector<1000x1xf32> to vector<1000x128xf32>
    %mul3A_16 = arith.mulf %add3A_12, %mul3A : vector<1000x128xf32>
    %get3A_17 = arith.constant 0 : index
    %get3A_18 = arith.constant 0 : index
    %get3A_19 = vector.load %arg4[%get3A_17, %get3A_18] : memref<128x512xf32, #tpu.memory_space<vmem>>, vector<128x512xf32>
    %dot_general3A = arith.constant dense<0.000000e+00> : vector<1000x512xf32>
    %dot_general3A_20 = tpu.matmul %mul3A_16, %get3A_19, %dot_general3A {dimension_numbers = #tpu.dot_dimension_numbers<[1], [0], [0], [1], [0, 0, 1, 1], [], []>, transpose_lhs_hint = false} : vector<1000x128xf32>, vector<128x512xf32>, vector<1000x512xf32> -> vector<1000x512xf32>
    %get3A_21 = arith.constant 0 : index
    %get3A_22 = arith.constant 0 : index
    %get3A_23 = vector.load %arg5[%get3A_21, %get3A_22] : memref<1x512xf32, #tpu.memory_space<vmem>>, vector<1x512xf32>
    %add3A_24 = vector.broadcast %get3A_23 : vector<1x512xf32> to vector<1000x512xf32>
    %add3A_25 = arith.addf %dot_general3A_20, %add3A_24 : vector<1000x512xf32>
    %gt3A = arith.constant 0.000000e+00 : f32
    %gt3A_26 = vector.broadcast %gt3A : f32 to vector<1000x512xf32>
    %gt3A_27 = arith.cmpf ogt, %add3A_25, %gt3A_26 : vector<1000x512xf32>
    %get3A_28 = arith.constant 0 : index
    %get3A_29 = arith.constant 0 : index
    %get3A_30 = vector.load %arg6[%get3A_28, %get3A_29] : memref<1x512xf32, #tpu.memory_space<vmem>>, vector<1x512xf32>
    %mul3A_31 = vector.broadcast %get3A_30 : vector<1x512xf32> to vector<1000x512xf32>
    %mul3A_32 = arith.mulf %mul3A_31, %add3A_25 : vector<1000x512xf32>
    %select_n3A = arith.select %gt3A_27, %add3A_25, %mul3A_32 : vector<1000x512xi1>, vector<1000x512xf32>
    %swap3A = arith.constant 0 : index
    %swap3A_33 = arith.constant 0 : index
    %swap3A_34 = vector.load %arg7[%swap3A, %swap3A_33] : memref<1000x512xf32, #tpu.memory_space<vmem>>, vector<1000x512xf32>
    tpu.vector_store %arg7[%swap3A, %swap3A_33], %select_n3A {strides = array<i32>} : memref<1000x512xf32, #tpu.memory_space<vmem>>, vector<1000x512xf32>,
    return
  }
  func.func @transform_0(%arg0: i32) -> (i32, i32, i32) {
    %c0_i32 = arith.constant 0 : i32
    %c0_i32_0 = arith.constant 0 : i32
    %c0_i32_1 = arith.constant 0 : i32
    return %c0_i32, %arg0, %c0_i32_0 : i32, i32, i32
  }
  func.func @transform_1(%arg0: i32) -> (i32, i32) {
    %c0_i32 = arith.constant 0 : i32
    %c0_i32_0 = arith.constant 0 : i32
    return %arg0, %c0_i32 : i32, i32
  }
  func.func @transform_2(%arg0: i32) -> (i32, i32) {
    %c0_i32 = arith.constant 0 : i32
    %c0_i32_0 = arith.constant 0 : i32
    return %arg0, %c0_i32 : i32, i32
  }
  func.func @transform_3(%arg0: i32) -> (i32, i32) {
    %c0_i32 = arith.constant 0 : i32
    %c0_i32_0 = arith.constant 0 : i32
    %c0_i32_1 = arith.constant 0 : i32
    return %c0_i32, %c0_i32_0 : i32, i32
  }
  func.func @transform_4(%arg0: i32) -> (i32, i32) {
    %c0_i32 = arith.constant 0 : i32
    %c0_i32_0 = arith.constant 0 : i32
    %c0_i32_1 = arith.constant 0 : i32
    return %c0_i32, %c0_i32_0 : i32, i32
  }
  func.func @transform_5(%arg0: i32) -> (i32, i32) {
    %c0_i32 = arith.constant 0 : i32
    %c0_i32_0 = arith.constant 0 : i32
    %c0_i32_1 = arith.constant 0 : i32
    return %c0_i32, %c0_i32_0 : i32, i32
  }
  func.func @transform_6(%arg0: i32) -> (i32, i32) {
    %c0_i32 = arith.constant 0 : i32
    %c0_i32_0 = arith.constant 0 : i32
    return %arg0, %c0_i32 : i32, i32
  }
}

</mosaic_0001>

<sc_bundles>
// kernel: kernel.10.cloned.1.call-start
scs
__scs_entry_jumppad:
0x0: {  	(pc) =	sbr.rel $0x88, $3  }
0x1: {  	(tag) =	ssettag $0x0;
	lr =	simm.s32 $0x1  }
0x2: {  	[smem:$0x3F9C] =	sst lr;
	_ =	strace $0xD0000000  }
0x3: {  	_ = 	snop  }
0x4: {  	_ = 	snop  }
0x5: {  	_ = 	snop  }
0x6: {  	_ = 	snop  }
0x7: {  	_ = 	snop  }
__scs_overlays_trampoline_lowered:
0x8: {  	[smem:$0x3FAB] =	sst s0  }
0x9: {  	[smem:$0x3FAC] =	sst s1  }
0xa: {  	[smem:$0x3FAD] =	sst s2  }
0xb: {  	[smem:$0x3FAE] =	sst s3  }
0xc: {  	[smem:$0x3FAF] =	sst s4  }
0xd: {  	[smem:$0x3FB0] =	sst s5  }
0xe: {  	[smem:$0x3FB1] =	sst s6  }
0xf: {  	[smem:$0x3FB2] =	sst s7  }
0x10: {  	[smem:$0x3FB3] =	sst s8  }
0x11: {  	[smem:$0x3FB4] =	sst s9;
	s0 =	simm.s32 @!p0 $0x0  }
0x12: {  	s1 =	sld [smem:$0x3F9A];
	s0 =	simm.s32 @p0 $0x1  }
0x13: {  	[smem:$0x3FB5] =	sst s0;
	s0 =	simm.s32 @!p1 $0x0  }
0x14: {  	s2 =	sld [smem:$0x3F99];
	s0 =	simm.s32 @p1 $0x1  }
0x15: {  	[smem:$0x3FB6] =	sst s0;
	s0 =	simm.s32 @!p2 $0x0  }
0x16: {  	s3 =	sld [smem:$0x3FDB];
	s0 =	simm.s32 @p2 $0x1  }
0x17: {  	s4 =	simm.s32 $0x1BF5;
	[smem:$0x3FB8] =	sst s0  }
0x18: {  	s0 =	sld [smem:$0x3F9B];
	_ =	swait.ge [sflag:s4], $0x0  }
0x19: {  	s7 =	sld [smem:$0x3F9C]  }
0x1a: {  	s8 =	sadd.s32 $0xFFFFE003, lr  }
0x1b: {  	s9 =	sadd.s32 $0xFFFFFEF7, lr;
	s5 =	simm.s32 $0xFFFFFFFF;
	p2 =	slt.u32 s8, $0xFFFFF086  }
0x1c: {  	p1 =	slt.u32 s9, $0xF7A;
	s5 =	simm.s32 @!p2 $0x0  }
0x1d: {  	s5 =	simm.s32 @p1 $0x1;
	p0 =	seq.s32 s7, s2  }
0x1e: {  	s7 =	smul.u32 @!p0 $0xF7A, s2;
	p2 =	seq.s32 @!p0 s5, $0x0  }
0x1f: {  	s9 =	smul.u32 $0xF7A, s1;
	s8 =	simm.s32 @!p0 $0x1BF5;
	p2 =	por !p2, p0  }
0x20: {  	[sflag:s8] =	ssyncset.s32 @!p0 $0xFFFFF086;
	s6 =	sadd.s32 @!p0 s3, s7;
	s7 =	simm.s32 @!p0 $0x108  }
0x21: {  	s3 =	sadd.s32 s3, s9;
	s6 =	sadd.s32 @!p0 $0x88, s6;
	s7 =	simm.s32 @p2 $0x1082  }
0x22: {  	[simem:s7], [sflag:s8] =	dma.local @!p0 [hbm:s6], $0xF7A  }
0x23: {  	s9 =	sor.u32 $0xD0000000, s2;
	s6 =	simm.s32 $0x108;
	_ =	swait.ge @!p0 [sflag:s8], $0x0  }
0x24: {  	s3 =	sadd.s32 $0x88, s3;
	s6 =	simm.s32 @!p1 $0x1082;
	[sflag:s4] =	ssyncset.s32 $0xFFFFF086  }
0x25: {  	[simem:s6], [sflag:s4] =	dma.local [hbm:s3], $0xF7A  }
0x26: {  	[smem:$0x3F9C] =	sst s1;
	(tag) =	ssettag s2;
	_ =	strace s9  }
0x27: {  	s1 =	sld [smem:$0x3FAC]  }
0x28: {  	s2 =	sld [smem:$0x3FAD]  }
0x29: {  	s4 =	sld [smem:$0x3FAF]  }
0x2a: {  	p0 =	seq.s32 s5, $0x0;
	s5 =	sld [smem:$0x3FB0]  }
0x2b: {  	s6 =	sld [smem:$0x3FB1]  }
0x2c: {  	s7 =	sld [smem:$0x3FB2]  }
0x2d: {  	s3 =	simm.s32 $0x108;
	s8 =	sld [smem:$0x3FB3]  }
0x2e: {  	s3 =	simm.s32 @!p0 $0x1082;
	s9 =	sld [smem:$0x3FB4]  }
0x2f: {  	lr =	sadd.s32 s0, s3;
	s0 =	sld [smem:$0x3FAB]  }
0x30: {  	s3 =	sld [smem:$0x3FAE]  }
0x31: {  	[smem:$0x3FB7] =	sst s10  }
0x32: {  	s10 =	sld [smem:$0x3FB5];
	_ =	sdelay $0x3  }
0x33: {  	p0 =	seq.s32 s10, $0x1;
	s10 =	sld [smem:$0x3FB7];
	_ =	sdelay $0x3  }
0x34: {  	[smem:$0x3FB7] =	sst s10  }
0x35: {  	s10 =	sld [smem:$0x3FB6];
	_ =	sdelay $0x3  }
0x36: {  	p1 =	seq.s32 s10, $0x1;
	s10 =	sld [smem:$0x3FB7];
	_ =	sdelay $0x3  }
0x37: {  	[smem:$0x3FB7] =	sst s10  }
0x38: {  	s10 =	sld [smem:$0x3FB8]  }
0x39: {  	_ = 	snop;
	(pc) =	sbr.ind lr, $3  }
0x3a: {  	_ = 	snop  }
0x3b: {  	_ = 	snop  }
0x3c: {  	p2 =	seq.s32 s10, $0x1;
	s10 =	sld [smem:$0x3FB7]  }
0x3d: {  	_ =	shalt  }
0x3e: {  	_ =	shalt  }
0x3f: {  	_ =	shalt  }
0x40: {  	_ =	shalt  }
0x41: {  	_ =	shalt  }
0x42: {  	_ =	shalt  }
0x43: {  	_ =	shalt  }
0x44: {  	_ =	shalt  }
0x45: {  	_ =	shalt  }
0x46: {  	_ =	shalt  }
0x47: {  	_ =	shalt  }
0x48: {  	_ =	shalt  }
0x49: {  	_ =	shalt  }
0x4a: {  	_ =	shalt  }
0x4b: {  	_ =	shalt  }
0x4c: {  	_ =	shalt  }
0x4d: {  	_ =	shalt  }
0x4e: {  	_ =	shalt  }
0x4f: {  	_ =	shalt  }
0x50: {  	_ =	shalt  }
0x51: {  	_ =	shalt  }
0x52: {  	_ =	shalt  }
0x53: {  	_ =	shalt  }
0x54: {  	_ =	shalt  }
0x55: {  	_ =	shalt  }
0x56: {  	_ =	shalt  }
0x57: {  	_ =	shalt  }
0x58: {  	_ =	shalt  }
0x59: {  	_ =	shalt  }
0x5a: {  	_ =	shalt  }
0x5b: {  	_ =	shalt  }
0x5c: {  	_ =	shalt  }
0x5d: {  	_ =	shalt  }
0x5e: {  	_ =	shalt  }
0x5f: {  	_ =	shalt  }
0x60: {  	_ =	shalt  }
0x61: {  	_ =	shalt  }
0x62: {  	_ =	shalt  }
0x63: {  	_ =	shalt  }
0x64: {  	_ =	shalt  }
0x65: {  	_ =	shalt  }
0x66: {  	_ =	shalt  }
0x67: {  	_ =	shalt  }
0x68: {  	_ =	shalt  }
0x69: {  	_ =	shalt  }
0x6a: {  	_ =	shalt  }
0x6b: {  	_ =	shalt  }
0x6c: {  	_ =	shalt  }
0x6d: {  	_ =	shalt  }
0x6e: {  	_ =	shalt  }
0x6f: {  	_ =	shalt  }
0x70: {  	_ =	shalt  }
0x71: {  	_ =	shalt  }
0x72: {  	_ =	shalt  }
0x73: {  	_ =	shalt  }
0x74: {  	_ =	shalt  }
0x75: {  	_ =	shalt  }
0x76: {  	_ =	shalt  }
0x77: {  	_ =	shalt  }
0x78: {  	_ =	shalt  }
0x79: {  	_ =	shalt  }
0x7a: {  	_ =	shalt  }
0x7b: {  	_ =	shalt  }
0x7c: {  	_ =	shalt  }
0x7d: {  	_ =	shalt  }
0x7e: {  	_ =	shalt  }
0x7f: {  	_ =	shalt  }
0x80: {  	_ =	shalt  }
0x81: {  	_ =	shalt  }
0x82: {  	_ =	shalt  }
0x83: {  	_ =	shalt  }
0x84: {  	_ =	shalt  }
0x85: {  	_ =	shalt  }
0x86: {  	_ =	shalt  }
0x87: {  	_ =	shalt  }
.Lfunc_end0:
.L_simem_size_0:
called_computation.1_lowered:
.L_overlay_start_0:
0x88: {  	s2 =	sld [smem:$0x3FD9]  }
0x89: {  	s3 =	sld [smem:$0x3FFE];
	_ =	sdelay $0x1  }
0x8a: {  	s1 =	srdreg.scid  }
0x8b: {  	s0 =	sand.u32 $0x1, s1  }
0x8c: {  	s17 =	sshll.u32 s0, $0xA;
	s2 =	sadd.s32 s3, s2  }
0x8d: {  	s2 =	sadd.s32 s2, s17  }
0x8e: {  	[smem:$0x3FC3] =	sst s2  }
0x8f: {  	_ = 	snop  }
0x90: {  	s2 =	sld [smem:$0x3FD0];
	(tm) =	ssettm $0x1  }
0x91: {  	s18 =	sld [smem:$0x3FFB];
	_ =	sdelay $0x3  }
0x92: {  	_ =	strace s18  }
0x93: {  	s3 =	sld [smem:$0x3FFC];
	_ =	sdelay $0x3  }
0x94: {  	_ =	strace s3  }
0x95: {  	s3 =	sld [smem:$0x3FFD];
	_ =	sdelay $0x3  }
0x96: {  	_ =	strace s3  }
0x97: {  	_ =	strace $0x8FFFFFFF  }
0x98: {  	s19 =	sld [smem:$0x3FDB];
	_ =	sdelay $0x1  }
0x99: {  	s4 =	simm.s32 $_scs_section_size  }
0x9a: {  	s5 =	simm.s32 $_size__tile_overlayer_lowered;
	s6 =	simm.s32 $_tile_overlayer_lowered  }
0x9b: {  	s22 =	simm.s32 $0x1BFF;
	s21 =	sshll.u32 s6, $0x1;
	s3 =	sadd.s32 s4, s19  }
0x9c: {  	s7 =	simm.s32 $0x0;
	s20 =	sshll.u32 s5, $0x1;
	s5 =	sadd.s32 s21, s3  }
0x9d: {  	[timem:s7], [sflag:s22] =	dma.local [hbm:s5], s20  }
0x9e: {  	_ =	swait.ge [sflag:s22], s20  }
0x9f: {  	s4 =	ssub.s32 $0x0, s20;
	[sflag:s22] =	ssyncset.done $0x0  }
0xa0: {  	[sflag:s22] =	ssyncadd.s32 s4;
	_ =	sdelay $0x1  }
0xa1: {  	s23 =	simm.s32 $0x1B8B  }
0xa2: {  	_ =	swait.ge [sflag:s23], $0x1  }
0xa3: {  	[sflag:s23] =	ssyncset.done $0x0  }
0xa4: {  	s25 =	simm.s32 $0x1B8E;
	s24 =	sld [smem:$0x3FFE];
	[sflag:s23] =	ssyncadd.s32 $0xFFFFFFFF  }
0xa5: {  	s26 =	simm.s32 $execute0_lowered;
	[smem:$0x3FD2] =	sst s25  }
0xa6: {  	s5 =	sshll.u32 s26, $0x1;
	_ =	strace $0x80000049;
	[dreg:$0x1] =	wrdreg $0xFFFFFFFF  }
0xa7: {  	s28 =	simm.s32 $_size_execute0_lowered;
	s3 =	sadd.s32 s3, s5;
	[dreg:$0x0] =	wrdreg $0x0  }
0xa8: {  	s5 =	sshll.u32 s28, $0x1;
	[dreg:$0x2] =	wrdreg s3  }
0xa9: {  	[dreg:$0x3] =	wrdreg s5  }
0xaa: {  	[dreg:$0x4] =	wrdreg $0xC0  }
0xab: {  	_ =	task [dreg:s7], $0x5FFFF  }
0xac: {  	[dreg:$0x1] =	wrdreg $0xFFFFFFFF  }
0xad: {  	[dreg:$0x0] =	wrdreg $0x60  }
0xae: {  	[dreg:$0x2] =	wrdreg s24  }
0xaf: {  	[dreg:$0x3] =	wrdreg s2  }
0xb0: {  	[dreg:$0x4] =	wrdreg $0xC0000  }
0xb1: {  	[dreg:$0x5] =	wrdreg $0x9  }
0xb2: {  	_ =	task.clear_ibuf [dreg:s7], $0x6FFFF;
	_ =	strace $0x90000049  }
0xb3: {  	s29 =	simm.s32 $0x9;
	_ =	strace $0x8000004B  }
0xb4: {  	_ =	swait.ge [sflag:s29], $0x1  }
0xb5: {  	[sflag:s29] =	ssyncadd.s32 $0xFFFFFFFF  }
0xb6: {  	_ =	strace $0x9000004B  }
0xb7: {  	_ =	sfence  }
0xb8: {  	s30 =	sld [smem:$0x0];
	_ =	sdelay $0x2  }
0xb9: {  	s31 =	sshll.u32 s1, $0xD;
	s1 =	sshrl.u32 s1, $0x2  }
0xba: {  	s3 =	sand.u32 $0x4000, s31;
	s1 =	sadd.s32 s1, s30  }
0xbb: {  	s0 =	sor.u32 s3, s0;
	s1 =	sshll.u32 s1, $0x11  }
0xbc: {  	s0 =	sor.u32 s1, s0  }
0xbd: {  	s0 =	sadd.s32 $0x8F2B, s0  }
0xbe: {  	[sflag:s0] =	ssyncadd.remote.s32 $0x1  }
0xbf: {  	_ =	sfence.sel $0xFFFF  }
0xc0: {  	[dreg:$0x0] =	wrdreg $0xFFFFFFFF;
	(pc) =	sbr.abs _section_cstart, $3  }
0xc1: {  	[dreg:$0x1] =	wrdreg $0xFFFFFFFF  }
0xc2: {  	_ =	task.clear_ibuf [dreg:s7], $0x2FFFF;
	_ =	strace $0x9FFFFFFF  }
0xc3: {  	(tm) =	ssettm $0x7FFFFFFF  }
tec
execute0_lowered:
.L_overlay_start_1:
0x0: {  	(tag) =	ssettag $0x1  }
0x1: {  	s0 =	rddreg [dreg:$0x0]  }
0x2: {  	s1 =	rddreg [dreg:$0x1]  }
0x3: {  	s2 =	rddreg [dreg:$0x2]  }
0x4: {  	s9 =	stileid.u32;
	s4 =	srdreg.scid;
	s3 =	simm.s32 $0x0  }
0x5: {  	s17 =	simm.s32 $0x5;
	s19 =	simm.s32 $0x200;
	s5 =	smul.u32 $0x28, s9  }
0x6: {  	s28 =	simm.s32 $0x2;
	s15 =	sand.u32 $0x1, s4;
	s4 =	smul.u32 $0x78, s9  }
0x7: {  	s29 =	simm.s32 $0x280;
	s30 =	simm.s32 $0x300;
	s6 =	smul.u32 $0x4F000, s9  }
0x8: {  	s31 =	simm.s32 $0x380;
	[smem:$0x7FF] =	sst s3;
	s9 =	smul.u32 $0x13C00, s9  }
0x9: {  	p0 =	seq.s32 s15, $0x0;
	_ =	strace $0x8000004A;
	s20 =	ssub.s32 $0x2, s15  }
0xa: {  	s7 =	smul.u32 $0x13C000, s15;
	s5 =	sadd.s32 $0x780, s5;
	s8 =	sshrl.u32 s20, $0x1  }
0xb: {  	s22 =	sshrl.u32 s6, $0x2;
	s5 =	smov.u32 @p0 s4;
	s21 =	ssub.s32 s20, s8  }
0xc: {  	s6 =	sadd.s32 s22, s2;
	s24 =	sadd.s32 s9, s7;
	p0 =	sne.s32 s15, $0x0  }
0xd: {  	s20 =	simm.s32 $0x1;
	s22 =	simm.s32 $0x8000;
	s4 =	sshll.u32 s5, $0x4  }
0xe: {  	s25 =	sadd.s32 $0x10000, s6;
	s5 =	sshrl.u32 s24, $0x3;
	s11 =	smax.u32 s21, $0x1  }
0xf: {  	s12 =	sadd.s32 $0x4000, s6;
	s13 =	sadd.s32 $0x8000, s6;
	s14 =	sadd.s32 $0xC000, s6  }
0x10: {  	s21 =	simm.s32 $0x80;
	s24 =	simm.s32 $0x100;
	s16 =	sadd.s32 s4, s0  }
.Ltmp0:
0x11: {  	s4 =	sadd.s32 $0x1FA00, s0;
	[dreg:$0x5] =	wrdreg s25;
	(pc) =	sbr.rel .LBB2_1-.Ltmp0, $4  }
0x12: {  	s10 =	sadd.s32 s1, s5;
	s25 =	simm.s32 $0x4;
	s0 =	simm.s32 $0x0  }
0x13: {  	s23 =	sadd.s32 $0x15A00, s16;
	s26 =	sadd.s32 $0x1C00, s16;
	s9 =	sadd.s32 $0x15A40, s16  }
0x14: {  	s1 =	sadd.s32 $0x15AC0, s16;
	s16 =	simm.s32 $0x4000;
	[dreg:$0x4] =	wrdreg s23  }
0x15: {  	v0 =	vimm.f32 $0.0e+00;
	[dreg:$0x6] =	wrdreg s26;
	s23 =	simm.s32 $0x3;
	s26 =	simm.s32 $0x180  }
.LBB2_10:
0x16: {  	_ =	swait.ge [sflag:s25], $0x4000  }
0x17: {  	s5 =	sshra.s32 s18, $0x2;
	[sflag:s25] =	ssyncset.done $0x0  }
0x18: {  	s5 =	sadd.s32 $0x780, s5;
	[sflag:s25] =	ssyncadd.s32 $0xFFFFC000  }
0x19: {  	[spmem:s2] =	stream.indirect.scatter.add.f32 [tilespmem:s22], [sflag:$0x5], $0x80, s5, s21, $0xb8;
	[tilespmem:$0x1FC00] =	vst v63  }
0x1a: {  	s18 =	stileid.u32;
	_ =	swait.ge [sflag:s17], $0x4000  }
0x1b: {  	s7 =	sshrl.u32 s6, $0x3;
	s0 =	sadd.s32 $0x1, s0;
	[sflag:s17] =	ssyncset.done $0x0  }
0x1c: {  	p1 =	sne.s32 s0, s11;
	s5 =	sshll.u32 s18, $0x6;
	[sflag:s17] =	ssyncadd.s32 $0xFFFFC000  }
.Ltmp1:
0x1d: {  	s5 =	sor.u32 $0x1C05, s5;
	[bflag:$0x0] =	sbarrier.arrive $0xFFFF;
	(pc) =	sbr.rel @!p1 .LBB2_11-.Ltmp1, $4  }
0x1e: {  	[hbm:s10], [sflag:s5] =	dma.local [spmem:s7], $0x2780  }
0x1f: {  	_ =	swait.ge [sflag:s17], $0x2780  }
0x20: {  	[sflag:s17] =	ssyncset.done $0x0  }
0x21: {  	[sflag:s17] =	ssyncadd.s32 $0xFFFFD880  }
.LBB2_1:
0x22: {  	s5 =	rddreg [dreg:$0x4]  }
0x23: {  	[tilespmem:s3], [sflag:$0x1] =	stream.linear.gather [hbm4b:s5+s3], $0x200, $0x38;
	[tilespmem:$0x1FC00] =	vst v63  }
0x24: {  	s15 =	sand.u32 $0x3FF0, s3;
	s5 =	simm.s32 $0x10  }
.LBB2_2:
0x25: {  	p1 =	sne.s32 s5, $0x3FF0;
	[tilespmem:s15+$0x4000] =	vst v0;
	s15 =	smov.u32 s5;
	s5 =	sadd.s32 $0x10, s5  }
.Ltmp2:
0x26: {  	(pc) =	sbr.rel @p1 .LBB2_2-.Ltmp2, $2  }
0x27: {  	_ =	sdelay $0x2  }
0x28: {  	s15 =	sand.u32 $0x3FF0, s15  }
0x29: {  	[tilespmem:s15+$0x4000] =	vst v0  }
0x2a: {  	[spmem:s6] =	stream.linear.scatter [tilespmem:s16], [sflag:$0x5], $0x4000, $0x38;
	[tilespmem:$0x1FC00] =	vst v63  }
0x2b: {  	_ =	swait.ge [sflag:s17], $0x4000  }
0x2c: {  	[sflag:s17] =	ssyncset.done $0x0  }
0x2d: {  	[sflag:s17] =	ssyncadd.s32 $0xFFFFC000  }
0x2e: {  	[spmem:s12] =	stream.linear.scatter [tilespmem:s16], [sflag:$0x5], $0x4000, $0x38;
	[tilespmem:$0x1FC00] =	vst v63  }
0x2f: {  	_ =	swait.ge [sflag:s17], $0x4000  }
0x30: {  	[sflag:s17] =	ssyncset.done $0x0  }
0x31: {  	[sflag:s17] =	ssyncadd.s32 $0xFFFFC000  }
0x32: {  	[spmem:s13] =	stream.linear.scatter [tilespmem:s16], [sflag:$0x5], $0x4000, $0x38;
	[tilespmem:$0x1FC00] =	vst v63  }
0x33: {  	_ =	swait.ge [sflag:s17], $0x4000  }
0x34: {  	[sflag:s17] =	ssyncset.done $0x0  }
0x35: {  	[sflag:s17] =	ssyncadd.s32 $0xFFFFC000  }
0x36: {  	[spmem:s14] =	stream.linear.scatter [tilespmem:s16], [sflag:$0x5], $0x4000, $0x38;
	[tilespmem:$0x1FC00] =	vst v63  }
0x37: {  	_ =	swait.ge [sflag:s17], $0x4000  }
0x38: {  	[sflag:s17] =	ssyncset.done $0x0  }
0x39: {  	s5 =	rddreg [dreg:$0x5];
	[sflag:s17] =	ssyncadd.s32 $0xFFFFC000  }
0x3a: {  	[spmem:s5] =	stream.linear.scatter [tilespmem:s16], [sflag:$0x5], $0x3C00, $0x38;
	[tilespmem:$0x1FC00] =	vst v63  }
.Ltmp3:
0x3b: {  	_ =	swait.ge [sflag:s17], $0x3C00;
	(pc) =	sbr.rel @p0 .LBB2_7-.Ltmp3, $4  }
0x3c: {  	[sflag:s17] =	ssyncset.done $0x0  }
0x3d: {  	[sflag:s17] =	ssyncadd.s32 $0xFFFFC400  }
0x3e: {  	[bflag:$0x0] =	sbarrier.arrive $0xFFFF  }
0x3f: {  	s18 =	simm.s32 $0x0  }
0x40: {  	s5 =	rddreg [dreg:$0x6];
	s7 =	simm.s32 $0x400  }
0x41: {  	[tilespmem:s7], [sflag:$0x5] =	stream.linear.gather [hbm4b:s5+s18], $0x3C00, $0x38;
	[tilespmem:$0x1FC00] =	vst v63  }
0x42: {  	_ =	swait.ge [sflag:s17], $0x3C00  }
0x43: {  	[sflag:s17] =	ssyncset.done $0x0  }
0x44: {  	[sflag:s17] =	ssyncadd.s32 $0xFFFFC400  }
0x45: {  	[tilespmem:s19], [sflag:$0x2] =	stream.linear.gather [hbm4b:s9+s18], $0x200, $0x38;
	[tilespmem:$0x1FC00] =	vst v63  }
0x46: {  	_ =	swait.ge [sflag:s20], $0x200  }
0x47: {  	[sflag:s20] =	ssyncset.done $0x0  }
0x48: {  	[sflag:s20] =	ssyncadd.s32 $0xFFFFFE00  }
0x49: {  	[tilespmem:s16], [sflag:$0x3] =	stream.indirect.gather [hbm4b:s4+s21], $0x80, s18, s21, $0xb8;
	[tilespmem:$0x1FC00] =	vst v63  }
0x4a: {  	s15 =	smov.u32 s1  }
0x4b: {  	[tilespmem:s22], [sflag:$0x4] =	stream.indirect.gather [hbm4b:s4+s21], $0x80, s21, s21, $0xb8;
	[tilespmem:$0x1FC00] =	vst v63  }
.LBB2_5:
0x4c: {  	_ =	swait.ge [sflag:s23], $0x4000  }
0x4d: {  	s5 =	sshra.s32 s18, $0x2;
	[sflag:s23] =	ssyncset.done $0x0  }
0x4e: {  	s7 =	sadd.s32 $0x400, s5;
	[sflag:s23] =	ssyncadd.s32 $0xFFFFC000  }
0x4f: {  	[spmem:s2] =	stream.indirect.scatter.add.f32 [tilespmem:s16], [sflag:$0x5], $0x80, s7, s21, $0xb8;
	[tilespmem:$0x1FC00] =	vst v63  }
0x50: {  	_ =	swait.ge [sflag:s17], $0x4000  }
0x51: {  	[sflag:s17] =	ssyncset.done $0x0  }
0x52: {  	[sflag:s17] =	ssyncadd.s32 $0xFFFFC000  }
0x53: {  	[tilespmem:s16], [sflag:$0x3] =	stream.indirect.gather [hbm4b:s4+s21], $0x80, s24, s21, $0xb8;
	[tilespmem:$0x1FC00] =	vst v63  }
0x54: {  	_ =	swait.ge [sflag:s25], $0x4000  }
0x55: {  	[sflag:s25] =	ssyncset.done $0x0  }
0x56: {  	s8 =	sadd.s32 $0x480, s5;
	[sflag:s25] =	ssyncadd.s32 $0xFFFFC000  }
0x57: {  	[spmem:s2] =	stream.indirect.scatter.add.f32 [tilespmem:s22], [sflag:$0x5], $0x80, s8, s21, $0xb8;
	[tilespmem:$0x1FC00] =	vst v63  }
0x58: {  	_ =	swait.ge [sflag:s17], $0x4000  }
0x59: {  	[sflag:s17] =	ssyncset.done $0x0  }
0x5a: {  	[sflag:s17] =	ssyncadd.s32 $0xFFFFC000  }
0x5b: {  	[tilespmem:s22], [sflag:$0x4] =	stream.indirect.gather [hbm4b:s4+s21], $0x80, s26, s21, $0xb8;
	[tilespmem:$0x1FC00] =	vst v63  }
0x5c: {  	_ =	swait.ge [sflag:s23], $0x4000  }
0x5d: {  	[sflag:s23] =	ssyncset.done $0x0  }
0x5e: {  	s8 =	sadd.s32 $0x500, s5;
	[sflag:s23] =	ssyncadd.s32 $0xFFFFC000  }
0x5f: {  	[spmem:s2] =	stream.indirect.scatter.add.f32 [tilespmem:s16], [sflag:$0x5], $0x80, s8, s21, $0xb8;
	[tilespmem:$0x1FC00] =	vst v63  }
0x60: {  	_ =	swait.ge [sflag:s17], $0x4000  }
0x61: {  	[sflag:s17] =	ssyncset.done $0x0  }
0x62: {  	[sflag:s17] =	ssyncadd.s32 $0xFFFFC000  }
0x63: {  	_ =	swait.ge [sflag:s28], $0x200  }
0x64: {  	[sflag:s28] =	ssyncset.done $0x0  }
0x65: {  	[sflag:s28] =	ssyncadd.s32 $0xFFFFFE00  }
0x66: {  	[tilespmem:s16], [sflag:$0x3] =	stream.indirect.gather [hbm4b:s4+s21], $0x80, s19, s21, $0xb8;
	[tilespmem:$0x1FC00] =	vst v63  }
0x67: {  	_ =	swait.ge [sflag:s25], $0x4000  }
0x68: {  	[sflag:s25] =	ssyncset.done $0x0  }
0x69: {  	s8 =	sadd.s32 $0x580, s5;
	[sflag:s25] =	ssyncadd.s32 $0xFFFFC000  }
0x6a: {  	[spmem:s2] =	stream.indirect.scatter.add.f32 [tilespmem:s22], [sflag:$0x5], $0x80, s8, s21, $0xb8;
	[tilespmem:$0x1FC00] =	vst v63  }
0x6b: {  	_ =	swait.ge [sflag:s17], $0x4000  }
0x6c: {  	[sflag:s17] =	ssyncset.done $0x0  }
0x6d: {  	p1 =	seq.s32 s18, $0xE000;
	[sflag:s17] =	ssyncadd.s32 $0xFFFFC000  }
0x6e: {  	[tilespmem:s22], [sflag:$0x4] =	stream.indirect.gather [hbm4b:s4+s21], $0x80, s29, s21, $0xb8;
	[tilespmem:$0x1FC00] =	vst v63  }
0x6f: {  	s7 =	sadd.s32 @!p1 $0xFFFFFFC0, s15;
	s8 =	simm.s32 @!p1 $0x0  }
0x70: {  	[tilespmem:s8], [sflag:$0x1] =	stream.linear.gather @!p1 [hbm4b:s7+s8], $0x200, $0x38;
	[tilespmem:$0x1FC00] =	vst v63  }
0x71: {  	_ =	swait.ge [sflag:s23], $0x4000  }
0x72: {  	[sflag:s23] =	ssyncset.done $0x0  }
0x73: {  	s8 =	sadd.s32 $0x600, s5;
	[sflag:s23] =	ssyncadd.s32 $0xFFFFC000  }
0x74: {  	[spmem:s2] =	stream.indirect.scatter.add.f32 [tilespmem:s16], [sflag:$0x5], $0x80, s8, s21, $0xb8;
	[tilespmem:$0x1FC00] =	vst v63  }
0x75: {  	_ =	swait.ge [sflag:s17], $0x4000  }
0x76: {  	[sflag:s17] =	ssyncset.done $0x0  }
0x77: {  	[sflag:s17] =	ssyncadd.s32 $0xFFFFC000  }
0x78: {  	[tilespmem:s16], [sflag:$0x3] =	stream.indirect.gather [hbm4b:s4+s21], $0x80, s30, s21, $0xb8;
	[tilespmem:$0x1FC00] =	vst v63  }
0x79: {  	_ =	swait.ge [sflag:s25], $0x4000  }
0x7a: {  	[sflag:s25] =	ssyncset.done $0x0  }
0x7b: {  	s8 =	sadd.s32 $0x680, s5;
	[sflag:s25] =	ssyncadd.s32 $0xFFFFC000  }
0x7c: {  	[spmem:s2] =	stream.indirect.scatter.add.f32 [tilespmem:s22], [sflag:$0x5], $0x80, s8, s21, $0xb8;
	[tilespmem:$0x1FC00] =	vst v63  }
0x7d: {  	_ =	swait.ge [sflag:s17], $0x4000  }
0x7e: {  	[sflag:s17] =	ssyncset.done $0x0  }
0x7f: {  	[sflag:s17] =	ssyncadd.s32 $0xFFFFC000  }
0x80: {  	[tilespmem:s22], [sflag:$0x4] =	stream.indirect.gather [hbm4b:s4+s21], $0x80, s31, s21, $0xb8;
	[tilespmem:$0x1FC00] =	vst v63  }
0x81: {  	_ =	swait.ge [sflag:s23], $0x4000  }
0x82: {  	[sflag:s23] =	ssyncset.done $0x0  }
.Ltmp4:
0x83: {  	s8 =	sadd.s32 $0x700, s5;
	[sflag:s23] =	ssyncadd.s32 $0xFFFFC000;
	(pc) =	sbr.rel @p1 .LBB2_10-.Ltmp4, $4  }
0x84: {  	[spmem:s2] =	stream.indirect.scatter.add.f32 [tilespmem:s16], [sflag:$0x5], $0x80, s8, s21, $0xb8;
	[tilespmem:$0x1FC00] =	vst v63  }
0x85: {  	_ =	swait.ge [sflag:s17], $0x4000  }
0x86: {  	[sflag:s17] =	ssyncset.done $0x0  }
0x87: {  	[sflag:s17] =	ssyncadd.s32 $0xFFFFC000  }
0x88: {  	_ =	swait.ge [sflag:s20], $0x200  }
0x89: {  	[sflag:s20] =	ssyncset.done $0x0  }
0x8a: {  	[sflag:s20] =	ssyncadd.s32 $0xFFFFFE00  }
0x8b: {  	[tilespmem:s16], [sflag:$0x3] =	stream.indirect.gather [hbm4b:s4+s21], $0x80, s3, s21, $0xb8;
	[tilespmem:$0x1FC00] =	vst v63  }
0x8c: {  	_ =	swait.ge [sflag:s25], $0x4000  }
0x8d: {  	[sflag:s25] =	ssyncset.done $0x0  }
0x8e: {  	s5 =	sadd.s32 $0x780, s5;
	[sflag:s25] =	ssyncadd.s32 $0xFFFFC000  }
0x8f: {  	[spmem:s2] =	stream.indirect.scatter.add.f32 [tilespmem:s22], [sflag:$0x5], $0x80, s5, s21, $0xb8;
	[tilespmem:$0x1FC00] =	vst v63  }
0x90: {  	_ =	swait.ge [sflag:s17], $0x4000  }
0x91: {  	[sflag:s17] =	ssyncset.done $0x0  }
.Ltmp5:
0x92: {  	[sflag:s17] =	ssyncadd.s32 $0xFFFFC000;
	(pc) =	sbr.rel .LBB2_5-.Ltmp5, $4  }
0x93: {  	[tilespmem:s22], [sflag:$0x4] =	stream.indirect.gather [hbm4b:s4+s21], $0x80, s21, s21, $0xb8;
	[tilespmem:$0x1FC00] =	vst v63  }
0x94: {  	_ = 	snop  }
0x95: {  	[tilespmem:s19], [sflag:$0x2] =	stream.linear.gather [hbm4b:s15+s3], $0x200, $0x38;
	[tilespmem:$0x1FC00] =	vst v63  }
0x96: {  	s18 =	sadd.s32 $0x1000, s18;
	s15 =	sadd.s32 $0x80, s15  }
.LBB2_7:
0x97: {  	s5 =	rddreg [dreg:$0x6];
	s7 =	simm.s32 $0x400  }
0x98: {  	[tilespmem:s7], [sflag:$0x5] =	stream.linear.gather [hbm4b:s5+s18], $0x1400, $0x38;
	[tilespmem:$0x1FC00] =	vst v63  }
0x99: {  	_ =	swait.ge [sflag:s17], $0x1400  }
0x9a: {  	[sflag:s17] =	ssyncset.done $0x0  }
0x9b: {  	[sflag:s17] =	ssyncadd.s32 $0xFFFFEC00  }
0x9c: {  	[tilespmem:s19], [sflag:$0x2] =	stream.linear.gather [hbm4b:s9+s18], $0x200, $0x38;
	[tilespmem:$0x1FC00] =	vst v63  }
0x9d: {  	_ =	swait.ge [sflag:s20], $0x200  }
0x9e: {  	[sflag:s20] =	ssyncset.done $0x0  }
0x9f: {  	[sflag:s20] =	ssyncadd.s32 $0xFFFFFE00  }
0xa0: {  	[tilespmem:s16], [sflag:$0x3] =	stream.indirect.gather [hbm4b:s4+s21], $0x80, s18, s21, $0xb8;
	[tilespmem:$0x1FC00] =	vst v63  }
0xa1: {  	s15 =	smov.u32 s1  }
0xa2: {  	[tilespmem:s22], [sflag:$0x4] =	stream.indirect.gather [hbm4b:s4+s21], $0x80, s21, s21, $0xb8;
	[tilespmem:$0x1FC00] =	vst v63  }
.LBB2_8:
0xa3: {  	_ =	swait.ge [sflag:s23], $0x4000  }
0xa4: {  	s5 =	sshra.s32 s18, $0x2;
	[sflag:s23] =	ssyncset.done $0x0  }
0xa5: {  	s7 =	sadd.s32 $0x400, s5;
	[sflag:s23] =	ssyncadd.s32 $0xFFFFC000  }
0xa6: {  	[spmem:s2] =	stream.indirect.scatter.add.f32 [tilespmem:s16], [sflag:$0x5], $0x80, s7, s21, $0xb8;
	[tilespmem:$0x1FC00] =	vst v63  }
0xa7: {  	_ =	swait.ge [sflag:s17], $0x4000  }
0xa8: {  	[sflag:s17] =	ssyncset.done $0x0  }
0xa9: {  	[sflag:s17] =	ssyncadd.s32 $0xFFFFC000  }
0xaa: {  	[tilespmem:s16], [sflag:$0x3] =	stream.indirect.gather [hbm4b:s4+s21], $0x80, s24, s21, $0xb8;
	[tilespmem:$0x1FC00] =	vst v63  }
0xab: {  	_ =	swait.ge [sflag:s25], $0x4000  }
0xac: {  	[sflag:s25] =	ssyncset.done $0x0  }
0xad: {  	s8 =	sadd.s32 $0x480, s5;
	[sflag:s25] =	ssyncadd.s32 $0xFFFFC000  }
0xae: {  	[spmem:s2] =	stream.indirect.scatter.add.f32 [tilespmem:s22], [sflag:$0x5], $0x80, s8, s21, $0xb8;
	[tilespmem:$0x1FC00] =	vst v63  }
0xaf: {  	_ =	swait.ge [sflag:s17], $0x4000  }
0xb0: {  	[sflag:s17] =	ssyncset.done $0x0  }
0xb1: {  	[sflag:s17] =	ssyncadd.s32 $0xFFFFC000  }
0xb2: {  	[tilespmem:s22], [sflag:$0x4] =	stream.indirect.gather [hbm4b:s4+s21], $0x80, s26, s21, $0xb8;
	[tilespmem:$0x1FC00] =	vst v63  }
0xb3: {  	_ =	swait.ge [sflag:s23], $0x4000  }
0xb4: {  	[sflag:s23] =	ssyncset.done $0x0  }
0xb5: {  	s8 =	sadd.s32 $0x500, s5;
	[sflag:s23] =	ssyncadd.s32 $0xFFFFC000  }
0xb6: {  	[spmem:s2] =	stream.indirect.scatter.add.f32 [tilespmem:s16], [sflag:$0x5], $0x80, s8, s21, $0xb8;
	[tilespmem:$0x1FC00] =	vst v63  }
0xb7: {  	_ =	swait.ge [sflag:s17], $0x4000  }
0xb8: {  	[sflag:s17] =	ssyncset.done $0x0  }
0xb9: {  	[sflag:s17] =	ssyncadd.s32 $0xFFFFC000  }
0xba: {  	_ =	swait.ge [sflag:s28], $0x200  }
0xbb: {  	[sflag:s28] =	ssyncset.done $0x0  }
0xbc: {  	[sflag:s28] =	ssyncadd.s32 $0xFFFFFE00  }
0xbd: {  	[tilespmem:s16], [sflag:$0x3] =	stream.indirect.gather [hbm4b:s4+s21], $0x80, s19, s21, $0xb8;
	[tilespmem:$0x1FC00] =	vst v63  }
0xbe: {  	_ =	swait.ge [sflag:s25], $0x4000  }
0xbf: {  	[sflag:s25] =	ssyncset.done $0x0  }
0xc0: {  	s8 =	sadd.s32 $0x580, s5;
	[sflag:s25] =	ssyncadd.s32 $0xFFFFC000  }
0xc1: {  	[spmem:s2] =	stream.indirect.scatter.add.f32 [tilespmem:s22], [sflag:$0x5], $0x80, s8, s21, $0xb8;
	[tilespmem:$0x1FC00] =	vst v63  }
0xc2: {  	_ =	swait.ge [sflag:s17], $0x4000  }
0xc3: {  	[sflag:s17] =	ssyncset.done $0x0  }
0xc4: {  	p1 =	seq.s32 s18, $0x4000;
	[sflag:s17] =	ssyncadd.s32 $0xFFFFC000  }
0xc5: {  	[tilespmem:s22], [sflag:$0x4] =	stream.indirect.gather [hbm4b:s4+s21], $0x80, s29, s21, $0xb8;
	[tilespmem:$0x1FC00] =	vst v63  }
0xc6: {  	s7 =	sadd.s32 @!p1 $0xFFFFFFC0, s15;
	s8 =	simm.s32 @!p1 $0x0  }
0xc7: {  	[tilespmem:s8], [sflag:$0x1] =	stream.linear.gather @!p1 [hbm4b:s7+s8], $0x200, $0x38;
	[tilespmem:$0x1FC00] =	vst v63  }
0xc8: {  	_ =	swait.ge [sflag:s23], $0x4000  }
0xc9: {  	[sflag:s23] =	ssyncset.done $0x0  }
0xca: {  	s8 =	sadd.s32 $0x600, s5;
	[sflag:s23] =	ssyncadd.s32 $0xFFFFC000  }
0xcb: {  	[spmem:s2] =	stream.indirect.scatter.add.f32 [tilespmem:s16], [sflag:$0x5], $0x80, s8, s21, $0xb8;
	[tilespmem:$0x1FC00] =	vst v63  }
0xcc: {  	_ =	swait.ge [sflag:s17], $0x4000  }
0xcd: {  	[sflag:s17] =	ssyncset.done $0x0  }
0xce: {  	[sflag:s17] =	ssyncadd.s32 $0xFFFFC000  }
0xcf: {  	[tilespmem:s16], [sflag:$0x3] =	stream.indirect.gather [hbm4b:s4+s21], $0x80, s30, s21, $0xb8;
	[tilespmem:$0x1FC00] =	vst v63  }
0xd0: {  	_ =	swait.ge [sflag:s25], $0x4000  }
0xd1: {  	[sflag:s25] =	ssyncset.done $0x0  }
0xd2: {  	s8 =	sadd.s32 $0x680, s5;
	[sflag:s25] =	ssyncadd.s32 $0xFFFFC000  }
0xd3: {  	[spmem:s2] =	stream.indirect.scatter.add.f32 [tilespmem:s22], [sflag:$0x5], $0x80, s8, s21, $0xb8;
	[tilespmem:$0x1FC00] =	vst v63  }
0xd4: {  	_ =	swait.ge [sflag:s17], $0x4000  }
0xd5: {  	[sflag:s17] =	ssyncset.done $0x0  }
0xd6: {  	[sflag:s17] =	ssyncadd.s32 $0xFFFFC000  }
0xd7: {  	[tilespmem:s22], [sflag:$0x4] =	stream.indirect.gather [hbm4b:s4+s21], $0x80, s31, s21, $0xb8;
	[tilespmem:$0x1FC00] =	vst v63  }
0xd8: {  	_ =	swait.ge [sflag:s23], $0x4000  }
0xd9: {  	[sflag:s23] =	ssyncset.done $0x0  }
.Ltmp6:
0xda: {  	s8 =	sadd.s32 $0x700, s5;
	[sflag:s23] =	ssyncadd.s32 $0xFFFFC000;
	(pc) =	sbr.rel @p1 .LBB2_10-.Ltmp6, $4  }
0xdb: {  	[spmem:s2] =	stream.indirect.scatter.add.f32 [tilespmem:s16], [sflag:$0x5], $0x80, s8, s21, $0xb8;
	[tilespmem:$0x1FC00] =	vst v63  }
0xdc: {  	_ =	swait.ge [sflag:s17], $0x4000  }
0xdd: {  	[sflag:s17] =	ssyncset.done $0x0  }
0xde: {  	[sflag:s17] =	ssyncadd.s32 $0xFFFFC000  }
0xdf: {  	_ =	swait.ge [sflag:s20], $0x200  }
0xe0: {  	[sflag:s20] =	ssyncset.done $0x0  }
0xe1: {  	[sflag:s20] =	ssyncadd.s32 $0xFFFFFE00  }
0xe2: {  	[tilespmem:s16], [sflag:$0x3] =	stream.indirect.gather [hbm4b:s4+s21], $0x80, s3, s21, $0xb8;
	[tilespmem:$0x1FC00] =	vst v63  }
0xe3: {  	_ =	swait.ge [sflag:s25], $0x4000  }
0xe4: {  	[sflag:s25] =	ssyncset.done $0x0  }
0xe5: {  	s5 =	sadd.s32 $0x780, s5;
	[sflag:s25] =	ssyncadd.s32 $0xFFFFC000  }
0xe6: {  	[spmem:s2] =	stream.indirect.scatter.add.f32 [tilespmem:s22], [sflag:$0x5], $0x80, s5, s21, $0xb8;
	[tilespmem:$0x1FC00] =	vst v63  }
0xe7: {  	_ =	swait.ge [sflag:s17], $0x4000  }
0xe8: {  	[sflag:s17] =	ssyncset.done $0x0  }
.Ltmp7:
0xe9: {  	[sflag:s17] =	ssyncadd.s32 $0xFFFFC000;
	(pc) =	sbr.rel .LBB2_8-.Ltmp7, $4  }
0xea: {  	[tilespmem:s22], [sflag:$0x4] =	stream.indirect.gather [hbm4b:s4+s21], $0x80, s21, s21, $0xb8;
	[tilespmem:$0x1FC00] =	vst v63  }
0xeb: {  	_ = 	snop  }
0xec: {  	[tilespmem:s19], [sflag:$0x2] =	stream.linear.gather [hbm4b:s15+s3], $0x200, $0x38;
	[tilespmem:$0x1FC00] =	vst v63  }
0xed: {  	s18 =	sadd.s32 $0x1000, s18;
	s15 =	sadd.s32 $0x80, s15  }
.LBB2_11:
0xee: {  	_ =	sfence.sel $0x180000  }
0xef: {  	[bflag:$0x0] =	sbarrier.arrive $0xFFFF  }
0xf0: {  	_ =	strace $0x9000004A  }
0xf1: {  	s0 =	stileid.u32;
	[bflag:$0x2] =	sbarrier.arrive $0xFFFF  }
0xf2: {  	p0 =	sne.s32 s0, $0x0;
	s0 =	rddreg [dreg:$0x3]  }
0xf3: {  	s0 =	sadd.s32 @!p0 $0x100000, s0  }
0xf4: {  	[sflag:s0] =	ssyncadd.tile.s32 @!p0 $0x1;
	_ =	shalt  }
.Lfunc_end2:
_tile_overlayer_lowered:
.L_overlay_start_2:
0xf5: {  	(tag) =	ssettag $0x2  }
0xf6: {  	s0 =	rddreg [dreg:$0x0];
	s2 =	stileid.u32  }
0xf7: {  	s1 =	rddreg [dreg:$0x1];
	p0 =	sne.s32 s2, $0x0  }
0xf8: {  	s3 =	rddreg [dreg:$0x2];
	[bflag:$0x3] =	sbarrier.arrive $0xFFFF;
	s2 =	simm.s32 @!p0 $0x1C05  }
0xf9: {  	[timem:s3], [sflag:s2] =	dma.local @!p0 [hbm:s0], s1  }
0xfa: {  	s0 =	simm.s32 @!p0 $0x5  }
0xfb: {  	_ =	swait.ge @!p0 [sflag:s0], s1  }
0xfc: {  	s1 =	ssub.s32 @!p0 $0x0, s1;
	[sflag:s0] =	ssyncset.done @!p0 $0x0  }
0xfd: {  	[sflag:s0] =	ssyncadd.s32 @!p0 s1  }
0xfe: {  	[bflag:$0x3] =	sbarrier.arrive $0xFFFF  }
0xff: {  	_ =	shalt  }

// kernel: kernel.7.cloned.1.call-start
scs
__scs_entry_jumppad:
0x0: {  	(pc) =	sbr.rel $0x88, $3  }
0x1: {  	(tag) =	ssettag $0x0;
	lr =	simm.s32 $0x1  }
0x2: {  	[smem:$0x3F9C] =	sst lr;
	_ =	strace $0xD0000000  }
0x3: {  	_ = 	snop  }
0x4: {  	_ = 	snop  }
0x5: {  	_ = 	snop  }
0x6: {  	_ = 	snop  }
0x7: {  	_ = 	snop  }
__scs_overlays_trampoline_lowered:
0x8: {  	[smem:$0x3FAB] =	sst s0  }
0x9: {  	[smem:$0x3FAC] =	sst s1  }
0xa: {  	[smem:$0x3FAD] =	sst s2  }
0xb: {  	[smem:$0x3FAE] =	sst s3  }
0xc: {  	[smem:$0x3FAF] =	sst s4  }
0xd: {  	[smem:$0x3FB0] =	sst s5  }
0xe: {  	[smem:$0x3FB1] =	sst s6  }
0xf: {  	[smem:$0x3FB2] =	sst s7  }
0x10: {  	[smem:$0x3FB3] =	sst s8  }
0x11: {  	[smem:$0x3FB4] =	sst s9;
	s0 =	simm.s32 @!p0 $0x0  }
0x12: {  	s1 =	sld [smem:$0x3F9A];
	s0 =	simm.s32 @p0 $0x1  }
0x13: {  	[smem:$0x3FB5] =	sst s0;
	s0 =	simm.s32 @!p1 $0x0  }
0x14: {  	s2 =	sld [smem:$0x3F99];
	s0 =	simm.s32 @p1 $0x1  }
0x15: {  	[smem:$0x3FB6] =	sst s0;
	s0 =	simm.s32 @!p2 $0x0  }
0x16: {  	s3 =	sld [smem:$0x3FDB];
	s0 =	simm.s32 @p2 $0x1  }
0x17: {  	s4 =	simm.s32 $0x1BF5;
	[smem:$0x3FB8] =	sst s0  }
0x18: {  	s0 =	sld [smem:$0x3F9B];
	_ =	swait.ge [sflag:s4], $0x0  }
0x19: {  	s7 =	sld [smem:$0x3F9C]  }
0x1a: {  	s8 =	sadd.s32 $0xFFFFE003, lr  }
0x1b: {  	s9 =	sadd.s32 $0xFFFFFEF7, lr;
	s5 =	simm.s32 $0xFFFFFFFF;
	p2 =	slt.u32 s8, $0xFFFFF086  }
0x1c: {  	p1 =	slt.u32 s9, $0xF7A;
	s5 =	simm.s32 @!p2 $0x0  }
0x1d: {  	s5 =	simm.s32 @p1 $0x1;
	p0 =	seq.s32 s7, s2  }
0x1e: {  	s7 =	smul.u32 @!p0 $0xF7A, s2;
	p2 =	seq.s32 @!p0 s5, $0x0  }
0x1f: {  	s9 =	smul.u32 $0xF7A, s1;
	s8 =	simm.s32 @!p0 $0x1BF5;
	p2 =	por !p2, p0  }
0x20: {  	[sflag:s8] =	ssyncset.s32 @!p0 $0xFFFFF086;
	s6 =	sadd.s32 @!p0 s3, s7;
	s7 =	simm.s32 @!p0 $0x108  }
0x21: {  	s3 =	sadd.s32 s3, s9;
	s6 =	sadd.s32 @!p0 $0x88, s6;
	s7 =	simm.s32 @p2 $0x1082  }
0x22: {  	[simem:s7], [sflag:s8] =	dma.local @!p0 [hbm:s6], $0xF7A  }
0x23: {  	s9 =	sor.u32 $0xD0000000, s2;
	s6 =	simm.s32 $0x108;
	_ =	swait.ge @!p0 [sflag:s8], $0x0  }
0x24: {  	s3 =	sadd.s32 $0x88, s3;
	s6 =	simm.s32 @!p1 $0x1082;
	[sflag:s4] =	ssyncset.s32 $0xFFFFF086  }
0x25: {  	[simem:s6], [sflag:s4] =	dma.local [hbm:s3], $0xF7A  }
0x26: {  	[smem:$0x3F9C] =	sst s1;
	(tag) =	ssettag s2;
	_ =	strace s9  }
0x27: {  	s1 =	sld [smem:$0x3FAC]  }
0x28: {  	s2 =	sld [smem:$0x3FAD]  }
0x29: {  	s4 =	sld [smem:$0x3FAF]  }
0x2a: {  	p0 =	seq.s32 s5, $0x0;
	s5 =	sld [smem:$0x3FB0]  }
0x2b: {  	s6 =	sld [smem:$0x3FB1]  }
0x2c: {  	s7 =	sld [smem:$0x3FB2]  }
0x2d: {  	s3 =	simm.s32 $0x108;
	s8 =	sld [smem:$0x3FB3]  }
0x2e: {  	s3 =	simm.s32 @!p0 $0x1082;
	s9 =	sld [smem:$0x3FB4]  }
0x2f: {  	lr =	sadd.s32 s0, s3;
	s0 =	sld [smem:$0x3FAB]  }
0x30: {  	s3 =	sld [smem:$0x3FAE]  }
0x31: {  	[smem:$0x3FB7] =	sst s10  }
0x32: {  	s10 =	sld [smem:$0x3FB5];
	_ =	sdelay $0x3  }
0x33: {  	p0 =	seq.s32 s10, $0x1;
	s10 =	sld [smem:$0x3FB7];
	_ =	sdelay $0x3  }
0x34: {  	[smem:$0x3FB7] =	sst s10  }
0x35: {  	s10 =	sld [smem:$0x3FB6];
	_ =	sdelay $0x3  }
0x36: {  	p1 =	seq.s32 s10, $0x1;
	s10 =	sld [smem:$0x3FB7];
	_ =	sdelay $0x3  }
0x37: {  	[smem:$0x3FB7] =	sst s10  }
0x38: {  	s10 =	sld [smem:$0x3FB8]  }
0x39: {  	_ = 	snop;
	(pc) =	sbr.ind lr, $3  }
0x3a: {  	_ = 	snop  }
0x3b: {  	_ = 	snop  }
0x3c: {  	p2 =	seq.s32 s10, $0x1;
	s10 =	sld [smem:$0x3FB7]  }
0x3d: {  	_ =	shalt  }
0x3e: {  	_ =	shalt  }
0x3f: {  	_ =	shalt  }
0x40: {  	_ =	shalt  }
0x41: {  	_ =	shalt  }
0x42: {  	_ =	shalt  }
0x43: {  	_ =	shalt  }
0x44: {  	_ =	shalt  }
0x45: {  	_ =	shalt  }
0x46: {  	_ =	shalt  }
0x47: {  	_ =	shalt  }
0x48: {  	_ =	shalt  }
0x49: {  	_ =	shalt  }
0x4a: {  	_ =	shalt  }
0x4b: {  	_ =	shalt  }
0x4c: {  	_ =	shalt  }
0x4d: {  	_ =	shalt  }
0x4e: {  	_ =	shalt  }
0x4f: {  	_ =	shalt  }
0x50: {  	_ =	shalt  }
0x51: {  	_ =	shalt  }
0x52: {  	_ =	shalt  }
0x53: {  	_ =	shalt  }
0x54: {  	_ =	shalt  }
0x55: {  	_ =	shalt  }
0x56: {  	_ =	shalt  }
0x57: {  	_ =	shalt  }
0x58: {  	_ =	shalt  }
0x59: {  	_ =	shalt  }
0x5a: {  	_ =	shalt  }
0x5b: {  	_ =	shalt  }
0x5c: {  	_ =	shalt  }
0x5d: {  	_ =	shalt  }
0x5e: {  	_ =	shalt  }
0x5f: {  	_ =	shalt  }
0x60: {  	_ =	shalt  }
0x61: {  	_ =	shalt  }
0x62: {  	_ =	shalt  }
0x63: {  	_ =	shalt  }
0x64: {  	_ =	shalt  }
0x65: {  	_ =	shalt  }
0x66: {  	_ =	shalt  }
0x67: {  	_ =	shalt  }
0x68: {  	_ =	shalt  }
0x69: {  	_ =	shalt  }
0x6a: {  	_ =	shalt  }
0x6b: {  	_ =	shalt  }
0x6c: {  	_ =	shalt  }
0x6d: {  	_ =	shalt  }
0x6e: {  	_ =	shalt  }
0x6f: {  	_ =	shalt  }
0x70: {  	_ =	shalt  }
0x71: {  	_ =	shalt  }
0x72: {  	_ =	shalt  }
0x73: {  	_ =	shalt  }
0x74: {  	_ =	shalt  }
0x75: {  	_ =	shalt  }
0x76: {  	_ =	shalt  }
0x77: {  	_ =	shalt  }
0x78: {  	_ =	shalt  }
0x79: {  	_ =	shalt  }
0x7a: {  	_ =	shalt  }
0x7b: {  	_ =	shalt  }
0x7c: {  	_ =	shalt  }
0x7d: {  	_ =	shalt  }
0x7e: {  	_ =	shalt  }
0x7f: {  	_ =	shalt  }
0x80: {  	_ =	shalt  }
0x81: {  	_ =	shalt  }
0x82: {  	_ =	shalt  }
0x83: {  	_ =	shalt  }
0x84: {  	_ =	shalt  }
0x85: {  	_ =	shalt  }
0x86: {  	_ =	shalt  }
0x87: {  	_ =	shalt  }
.Lfunc_end0:
.L_simem_size_0:
called_computation_lowered:
.L_overlay_start_0:
0x88: {  	s2 =	sld [smem:$0x3FD9]  }
0x89: {  	s3 =	sld [smem:$0x3FFE];
	_ =	sdelay $0x1  }
0x8a: {  	s1 =	srdreg.scid  }
0x8b: {  	s0 =	sand.u32 $0x1, s1  }
0x8c: {  	s17 =	sshll.u32 s0, $0xA;
	s2 =	sadd.s32 s3, s2  }
0x8d: {  	s2 =	sadd.s32 s2, s17  }
0x8e: {  	[smem:$0x3FC3] =	sst s2  }
0x8f: {  	_ = 	snop  }
0x90: {  	s2 =	sld [smem:$0x3FD0];
	(tm) =	ssettm $0x1  }
0x91: {  	s18 =	sld [smem:$0x3FFB];
	_ =	sdelay $0x3  }
0x92: {  	_ =	strace s18  }
0x93: {  	s3 =	sld [smem:$0x3FFC];
	_ =	sdelay $0x3  }
0x94: {  	_ =	strace s3  }
0x95: {  	s3 =	sld [smem:$0x3FFD];
	_ =	sdelay $0x3  }
0x96: {  	_ =	strace s3  }
0x97: {  	_ =	strace $0x8FFFFFFF  }
0x98: {  	s19 =	sld [smem:$0x3FDB];
	_ =	sdelay $0x1  }
0x99: {  	s4 =	simm.s32 $_scs_section_size  }
0x9a: {  	s5 =	simm.s32 $_size__tile_overlayer_lowered;
	s6 =	simm.s32 $_tile_overlayer_lowered  }
0x9b: {  	s22 =	simm.s32 $0x1BFF;
	s21 =	sshll.u32 s6, $0x1;
	s3 =	sadd.s32 s4, s19  }
0x9c: {  	s7 =	simm.s32 $0x0;
	s20 =	sshll.u32 s5, $0x1;
	s5 =	sadd.s32 s21, s3  }
0x9d: {  	[timem:s7], [sflag:s22] =	dma.local [hbm:s5], s20  }
0x9e: {  	_ =	swait.ge [sflag:s22], s20  }
0x9f: {  	s4 =	ssub.s32 $0x0, s20;
	[sflag:s22] =	ssyncset.done $0x0  }
0xa0: {  	[sflag:s22] =	ssyncadd.s32 s4;
	_ =	sdelay $0x1  }
0xa1: {  	s23 =	simm.s32 $0x1B8B  }
0xa2: {  	_ =	swait.ge [sflag:s23], $0x1  }
0xa3: {  	[sflag:s23] =	ssyncset.done $0x0  }
0xa4: {  	s25 =	simm.s32 $0x1B8E;
	s24 =	sld [smem:$0x3FFE];
	[sflag:s23] =	ssyncadd.s32 $0xFFFFFFFF  }
0xa5: {  	s26 =	simm.s32 $execute0_lowered;
	[smem:$0x3FD2] =	sst s25  }
0xa6: {  	s5 =	sshll.u32 s26, $0x1;
	_ =	strace $0x80000046;
	[dreg:$0x1] =	wrdreg $0xFFFFFFFF  }
0xa7: {  	s28 =	simm.s32 $_size_execute0_lowered;
	s3 =	sadd.s32 s3, s5;
	[dreg:$0x0] =	wrdreg $0x0  }
0xa8: {  	s5 =	sshll.u32 s28, $0x1;
	[dreg:$0x2] =	wrdreg s3  }
0xa9: {  	[dreg:$0x3] =	wrdreg s5  }
0xaa: {  	[dreg:$0x4] =	wrdreg $0xC0  }
0xab: {  	_ =	task [dreg:s7], $0x5FFFF  }
0xac: {  	[dreg:$0x1] =	wrdreg $0xFFFFFFFF  }
0xad: {  	[dreg:$0x0] =	wrdreg $0x60  }
0xae: {  	[dreg:$0x2] =	wrdreg s2  }
0xaf: {  	[dreg:$0x3] =	wrdreg s24  }
0xb0: {  	[dreg:$0x4] =	wrdreg $0x9  }
0xb1: {  	_ =	task.clear_ibuf [dreg:s7], $0x5FFFF;
	_ =	strace $0x90000046  }
0xb2: {  	s29 =	simm.s32 $0x9;
	_ =	strace $0x80000048  }
0xb3: {  	_ =	swait.ge [sflag:s29], $0x1  }
0xb4: {  	[sflag:s29] =	ssyncadd.s32 $0xFFFFFFFF  }
0xb5: {  	_ =	strace $0x90000048  }
0xb6: {  	_ =	sfence  }
0xb7: {  	s30 =	sld [smem:$0x0];
	_ =	sdelay $0x2  }
0xb8: {  	s31 =	sshll.u32 s1, $0xD;
	s1 =	sshrl.u32 s1, $0x2  }
0xb9: {  	s3 =	sand.u32 $0x4000, s31;
	s1 =	sadd.s32 s1, s30  }
0xba: {  	s0 =	sor.u32 s3, s0;
	s1 =	sshll.u32 s1, $0x11  }
0xbb: {  	s0 =	sor.u32 s1, s0  }
0xbc: {  	s0 =	sadd.s32 $0x8F2B, s0  }
0xbd: {  	[sflag:s0] =	ssyncadd.remote.s32 $0x1  }
0xbe: {  	_ =	sfence.sel $0xFFFF  }
0xbf: {  	[dreg:$0x0] =	wrdreg $0xFFFFFFFF;
	(pc) =	sbr.abs _section_cstart, $3  }
0xc0: {  	[dreg:$0x1] =	wrdreg $0xFFFFFFFF  }
0xc1: {  	_ =	task.clear_ibuf [dreg:s7], $0x2FFFF;
	_ =	strace $0x9FFFFFFF  }
0xc2: {  	(tm) =	ssettm $0x7FFFFFFF  }
0xc3: {  	_ =	shalt  }
tec
execute0_lowered:
.L_overlay_start_1:
0x0: {  	(tag) =	ssettag $0x1  }
0x1: {  	s3 =	rddreg [dreg:$0x0]  }
0x2: {  	s1 =	srdreg.scid;
	s0 =	stileid.u32  }
0x3: {  	s4 =	rddreg [dreg:$0x1];
	s5 =	sand.u32 $0x1, s1;
	s2 =	sshll.u32 s0, $0x1  }
0x4: {  	s1 =	rddreg [dreg:$0x2];
	s6 =	sor.u32 s5, s2  }
0x5: {  	s2 =	simm.s32 $0x0;
	s5 =	ssub.s32 $0x2, s5;
	s7 =	smul.u32 $0x4F0, s6  }
0x6: {  	[smem:$0x7FF] =	sst s2;
	s8 =	sshrl.u32 s5, $0x1;
	s6 =	smul.u32 $0x500, s6  }
0x7: {  	_ =	strace $0x80000047;
	s5 =	ssub.s32 s5, s8;
	s8 =	simm.s32 $0x0  }
0x8: {  	s4 =	sadd.s32 s7, s4;
	s3 =	sadd.s32 s3, s6;
	s5 =	smax.u32 s5, $0x1  }
0x9: {  	v0 =	vimm.f32 $0.0e+00;
	v1 =	vimm.f32 $1.000000000e+00;
	s6 =	simm.s32 $0x1;
	s7 =	simm.s32 $0x2800;
	s4 =	sadd.s32 $0xBC00, s4  }
.LBB2_1:
0xa: {  	[tilespmem:s2], [sflag:$0x1] =	stream.linear.gather [hbm4b:s3+s2], $0x2800, $0x38;
	[tilespmem:$0x4F80] =	vst v63  }
0xb: {  	_ =	swait.ge [sflag:s6], $0x2800  }
0xc: {  	[sflag:s6] =	ssyncset.done $0x0  }
0xd: {  	s9 =	simm.s32 $0x0;
	[sflag:s6] =	ssyncadd.s32 $0xFFFFD800  }
.LBB2_2:
0xe: {  	p0 =	sne.s32 s9, $0x9DC0  }
.Ltmp0:
0xf: {  	_ = 	snop;
	(pc) =	sbr.rel @p0 .LBB2_2-.Ltmp0, $3  }
0x10: {  	_ =	sdelay $0x1  }
0x11: {  	s10 =	sshra.s32 s9, $0x2  }
0x12: {  	s9 =	sadd.s32 $0x40, s9;
	[tilespmem:s10+$0x2800] =	vst v0  }
0x13: {  	s10 =	simm.s32 $0x0;
	s9 =	simm.s32 $0x40  }
.LBB2_4:
0x14: {  	p0 =	sne.s32 s9, $0x9FC0;
	v2 =	vld [tilespmem:s10+$0x0];
	_ =	sdelay $0x3  }
.Ltmp1:
0x15: {  	(pc) =	sbr.rel @p0 .LBB2_4-.Ltmp1, $2  }
0x16: {  	_ =	sdelay $0x2  }
0x17: {  	s10 =	sshra.s32 s9, $0x2;
	s9 =	sadd.s32 $0x40, s9;
	[tilespmem:v2+s7+$0x0] =	vst.idx.add.f32.msk $0xffff, v1  }
0x18: {  	v2 =	vld [tilespmem:s10+$0x0];
	_ =	sdelay $0x5  }
0x19: {  	s8 =	sadd.s32 $0x1, s8  }
0x1a: {  	p0 =	sne.s32 s8, s5  }
.Ltmp2:
0x1b: {  	[tilespmem:v2+s7+$0x0] =	vst.idx.add.f32.msk $0xffff, v1;
	(pc) =	sbr.rel @p0 .LBB2_1-.Ltmp2, $4  }
0x1c: {  	[hbm4b:s4+s2] =	stream.linear.scatter [tilespmem:s7], [sflag:$0x1], $0x2780, $0x38;
	[tilespmem:$0x4F80] =	vst v63  }
0x1d: {  	_ =	swait.ge [sflag:s6], $0x2780  }
0x1e: {  	[sflag:s6] =	ssyncset.done $0x0  }
0x1f: {  	[sflag:s6] =	ssyncadd.s32 $0xFFFFD880  }
0x20: {  	_ =	sfence.sel $0x180000  }
0x21: {  	[bflag:$0x0] =	sbarrier.arrive $0xFFFF  }
0x22: {  	p0 =	sne.s32 s0, $0x0;
	_ =	strace $0x90000047  }
0x23: {  	s0 =	sadd.s32 @!p0 $0x100000, s1;
	[bflag:$0x2] =	sbarrier.arrive $0xFFFF  }
0x24: {  	[sflag:s0] =	ssyncadd.tile.s32 @!p0 $0x1;
	_ =	shalt  }
.Lfunc_end2:
_tile_overlayer_lowered:
.L_overlay_start_2:
0x25: {  	(tag) =	ssettag $0x2  }
0x26: {  	s0 =	rddreg [dreg:$0x0];
	s2 =	stileid.u32  }
0x27: {  	s1 =	rddreg [dreg:$0x1];
	p0 =	sne.s32 s2, $0x0  }
0x28: {  	s3 =	rddreg [dreg:$0x2];
	[bflag:$0x3] =	sbarrier.arrive $0xFFFF;
	s2 =	simm.s32 @!p0 $0x1C01  }
0x29: {  	[timem:s3], [sflag:s2] =	dma.local @!p0 [hbm:s0], s1  }
0x2a: {  	s0 =	simm.s32 @!p0 $0x1  }
0x2b: {  	_ =	swait.ge @!p0 [sflag:s0], s1  }
0x2c: {  	s1 =	ssub.s32 @!p0 $0x0, s1;
	[sflag:s0] =	ssyncset.done @!p0 $0x0  }
0x2d: {  	[sflag:s0] =	ssyncadd.s32 @!p0 s1  }
0x2e: {  	[bflag:$0x3] =	sbarrier.arrive $0xFFFF  }
0x2f: {  	_ =	shalt  }

</sc_bundles>
